<compile_context>
chip_gen: v7x
topology: tpu7x:2x2x1
jax: 0.10.2.dev20260603
libtpu: 0.0.44.dev20260713+nightly
codegen_flags: <defaults>
</compile_context>

<pallas_src>
import functools

import jax
import jax.numpy as jnp
from jax import lax
from jax.experimental import pallas as pl
from jax.experimental.pallas import tpu as pltpu
from jax.experimental.pallas import tpu_sc as plsc

B = 128
POOL = 64
SEL = 8
PLEN = 8
DIM = 1024

NC = 2
NS = 16
NW = NC * NS

ROWS = B * SEL * PLEN
CH = 16
CPW = ROWS // (NW * CH)
NBUF = 6
LAG = 2
QPW = B // NW


def _match_topk_body(q_ref, k_ref, sim_ref, eidx_ref):
    q = q_ref[...]
    k = k_ref[...]
    eps = jnp.float32(1e-8)
    qn = jnp.maximum(jnp.sqrt(jnp.sum(q * q, axis=1, keepdims=True)), eps)
    ones = jnp.ones((1, DIM), jnp.float32)
    knsq = lax.dot_general(ones, k * k, (((1,), (1,)), ((), ())),
                           preferred_element_type=jnp.float32,
                           precision=lax.Precision.HIGHEST)
    kn = jnp.maximum(jnp.sqrt(knsq), eps)
    dots = lax.dot_general(q.astype(jnp.bfloat16), k.astype(jnp.bfloat16),
                           (((1,), (1,)), ((), ())),
                           preferred_element_type=jnp.float32)
    match = 1.0 - dots / (qn * kn)

    col = lax.broadcasted_iota(jnp.int32, (B, POOL), 1)
    icol = lax.broadcasted_iota(jnp.int32, (B, PLEN), 1)
    vals = match
    sims = []
    eblocks = []
    for _ in range(SEL):
        m = jnp.min(vals, axis=1, keepdims=True)
        amin = jnp.min(jnp.where(vals == m, col, POOL), axis=1,
                       keepdims=True)
        sims.append(m)
        eblocks.append(amin * PLEN + icol)
        vals = jnp.where(col == amin, jnp.float32(jnp.inf), vals)
    sim_ref[...] = jnp.concatenate(sims, axis=1)
    eidx_ref[...] = jnp.concatenate(eblocks, axis=1)


_match_topk = pl.pallas_call(
    _match_topk_body,
    out_shape=[
        jax.ShapeDtypeStruct((B, SEL), jnp.float32),
        jax.ShapeDtypeStruct((B, SEL * PLEN), jnp.int32),
    ],
)


def _gather_body(table_hbm, idx_hbm, out_hbm, idx_v, *rest):
    bufs = rest[:NBUF]
    sgs = rest[NBUF:2 * NBUF]
    sss = rest[2 * NBUF:3 * NBUF]
    wid = lax.axis_index("s") * NC + lax.axis_index("c")
    base_chunk = wid * CPW
    pltpu.sync_copy(idx_hbm.at[pl.ds(wid * QPW, QPW)], idx_v)
    gh = {}
    sh = {}
    ipc = (SEL * PLEN) // CH

    def start_gather(c):
        q, r = c // ipc, c % ipc
        gh[c] = pltpu.async_copy(table_hbm.at[idx_v.at[q, pl.ds(r * CH, CH)]],
                                 bufs[c % NBUF], sgs[c % NBUF])

    def start_scatter(c):
        sh[c] = pltpu.async_copy(bufs[c % NBUF],
                                 out_hbm.at[pl.ds((base_chunk + c) * CH, CH)],
                                 sss[c % NBUF])

    for c in range(NBUF):
        start_gather(c)
    for c in range(CPW):
        gh[c].wait()
        start_scatter(c)
        m = c - LAG
        if 0 <= m and m + NBUF < CPW:
            sh[m].wait()
            start_gather(m + NBUF)
    for c in range(max(0, CPW - NBUF), CPW):
        sh[c].wait()


@functools.lru_cache(maxsize=1)
def _make_gather():
    return functools.partial(
        pl.kernel,
        mesh=plsc.VectorSubcoreMesh(core_axis_name="c", subcore_axis_name="s"),
        out_type=jax.ShapeDtypeStruct((ROWS, DIM), jnp.float32),
        scratch_types=(
            [pltpu.VMEM((QPW, SEL * PLEN), jnp.int32)]
            + [pltpu.VMEM((CH, DIM), jnp.float32) for _ in range(NBUF)]
            + [pltpu.SemaphoreType.DMA for _ in range(2 * NBUF)]
        ),
    )(_gather_body)


def kernel(query, key, prompts):
    sim, eidx = _match_topk(query, key)
    table = prompts.reshape(POOL * PLEN, DIM)
    rows = _make_gather()(table, eidx)
    return sim, rows.reshape(B, SEL, PLEN, DIM)

# --- scband reference (transcript-rebuilt; emitter-appended) ---
"""Pipeline reference for scband-prompt-4913442586869 (READ-ONLY COPY).

The authoritative reference and input builder live on the scoring server;
editing this copy changes nothing except your own understanding.
"""

import jax, jax.numpy as jnp
import numpy as np

B = 128
POOL = 64
SEL = 8
PLEN = 8
DIM = 1024

def setup_inputs(seed: int = 0) -> dict:
    key = jax.random.key(seed)
    k1, k2, k3 = jax.random.split(key, 3)
    query = jax.random.normal(k1, (B, DIM), dtype=jnp.float32)
    key_p = jax.random.uniform(k2, (POOL, DIM), minval=-1.0, maxval=1.0, dtype=jnp.float32)
    prompts = jax.random.uniform(k3, (POOL, PLEN, DIM), minval=-1.0, maxval=1.0, dtype=jnp.float32)
    return {"query": query, "key": key_p, "prompts": prompts}

def reference(query, key, prompts):
    # match = 1 - cosine_similarity(query[:, None, :], key, dim=-1) -> [B, POOL]
    eps = 1e-8
    qn = jnp.maximum(jnp.linalg.norm(query, axis=-1, keepdims=True), eps)  # [B,1]
    kn = jnp.maximum(jnp.linalg.norm(key, axis=-1), eps)  # [POOL]
    cos = (query @ key.T) / (qn * kn[None, :])
    match = 1.0 - cos
    # topk smallest, sorted ascending (torch largest=False, sorted=True)
    _, topk = jax.lax.top_k(-match, SEL)  # indices of SEL smallest match values
    # selection = prompts gathered by topk -> [B, SEL, PLEN, DIM]
    selection = jnp.take(prompts, topk, axis=0)
    # similarity = match.gather(1, topk) -> [B, SEL]
    similarity = jnp.take_along_axis(match, topk, axis=1)
    return (similarity, selection)

if __name__ == "__main__":
    import jax
    _d = setup_inputs()
    print(jax.jit(kernel)(*tuple(_d.values())))

</pallas_src>

<mosaic_0001>
#map = affine_map<(d0, d1) -> (0, 0)>
module attributes {stable_mosaic.version = 14 : i64} {
  func.func @_gather_body(%arg0: i32, %arg1: i32, %arg2: memref<512x1024xf32, #tpu.memory_space<hbm>>, %arg3: memref<128x64xi32, #tpu.memory_space<hbm>>, %arg4: memref<8192x1024xf32, #tpu.memory_space<hbm>>, %arg5: memref<4x64xi32, #tpu.memory_space<vmem>>, %arg6: memref<16x1024xf32, #tpu.memory_space<vmem>>, %arg7: memref<16x1024xf32, #tpu.memory_space<vmem>>, %arg8: memref<16x1024xf32, #tpu.memory_space<vmem>>, %arg9: memref<16x1024xf32, #tpu.memory_space<vmem>>, %arg10: memref<16x1024xf32, #tpu.memory_space<vmem>>, %arg11: memref<16x1024xf32, #tpu.memory_space<vmem>>, %arg12: memref<!tpu.dma_semaphore, #tpu.memory_space<semaphore_mem>>, %arg13: memref<!tpu.dma_semaphore, #tpu.memory_space<semaphore_mem>>, %arg14: memref<!tpu.dma_semaphore, #tpu.memory_space<semaphore_mem>>, %arg15: memref<!tpu.dma_semaphore, #tpu.memory_space<semaphore_mem>>, %arg16: memref<!tpu.dma_semaphore, #tpu.memory_space<semaphore_mem>>, %arg17: memref<!tpu.dma_semaphore, #tpu.memory_space<semaphore_mem>>, %arg18: memref<!tpu.dma_semaphore, #tpu.memory_space<semaphore_mem>>, %arg19: memref<!tpu.dma_semaphore, #tpu.memory_space<semaphore_mem>>, %arg20: memref<!tpu.dma_semaphore, #tpu.memory_space<semaphore_mem>>, %arg21: memref<!tpu.dma_semaphore, #tpu.memory_space<semaphore_mem>>, %arg22: memref<!tpu.dma_semaphore, #tpu.memory_space<semaphore_mem>>, %arg23: memref<!tpu.dma_semaphore, #tpu.memory_space<semaphore_mem>>) attributes {dimension_semantics = [#tpu.dimension_semantics<core_parallel>, #tpu.dimension_semantics<subcore_parallel>], iteration_bounds = array<i64: 2, 16>, scalar_prefetch = 0 : i64, scratch_operands = 19 : i64, tpu.core_type = #tpu.core_type<sc_vector_subcore>, window_params = [{transform_indices = #map}, {transform_indices = #map}, {transform_indices = #map}]} {
    %mul3A = arith.constant 2 : i32
    %mul3A_0 = arith.muli %arg1, %mul3A : i32
    %add3A = arith.addi %mul3A_0, %arg0 : i32
    %mul3A_1 = arith.constant 16 : i32
    %mul3A_2 = arith.muli %add3A, %mul3A_1 : i32
    %mul3A_3 = arith.constant 4 : i32
    %mul3A_4 = arith.muli %add3A, %mul3A_3 : i32
    "tpu.region"() ({
      %run_scoped3A = tpu.sem_alloc : memref<!tpu.dma_semaphore, #tpu.memory_space<semaphore_mem>>
      %dma_start3A_419 = arith.constant 0 : i32
      %dma_start3A_420 = tpu.memref_slice %arg3[%mul3A_4, %dma_start3A_419] : memref<128x64xi32, #tpu.memory_space<hbm>> -> memref<4x64xi32, #tpu.memory_space<hbm>>
      %dma_start3A_421 = arith.constant 0 : i32
      %dma_start3A_422 = tpu.memref_slice %arg3[%mul3A_4, %dma_start3A_421] : memref<128x64xi32, #tpu.memory_space<hbm>> -> memref<4x64xi32, #tpu.memory_space<hbm>>
      tpu.enqueue_dma source(%dma_start3A_422 : memref<4x64xi32, #tpu.memory_space<hbm>>) target(%arg5 : memref<4x64xi32, #tpu.memory_space<vmem>>) target_semaphore(%run_scoped3A : memref<!tpu.dma_semaphore, #tpu.memory_space<semaphore_mem>>)
      %dma_wait3A_423 = arith.constant 0 : i32
      %dma_wait3A_424 = tpu.memref_slice %arg3[%mul3A_4, %dma_wait3A_423] : memref<128x64xi32, #tpu.memory_space<hbm>> -> memref<4x64xi32, #tpu.memory_space<hbm>>
      %dma_wait3A_425 = arith.constant 0 : i32
      %dma_wait3A_426 = tpu.memref_slice %arg3[%mul3A_4, %dma_wait3A_425] : memref<128x64xi32, #tpu.memory_space<hbm>> -> memref<4x64xi32, #tpu.memory_space<hbm>>
      tpu.wait_dma2 semaphore(%run_scoped3A : memref<!tpu.dma_semaphore, #tpu.memory_space<semaphore_mem>>) src(%dma_wait3A_426 : memref<4x64xi32, #tpu.memory_space<hbm>>) dst(%arg5 : memref<4x64xi32, #tpu.memory_space<vmem>>)
      tpu.yield
    }) : () -> ()
    %dma_start3A = arith.constant 0 : i32
    %dma_start3A_5 = arith.constant 0 : i32
    %dma_start3A_6 = tpu.memref_slice %arg5[%dma_start3A, %dma_start3A_5] : memref<4x64xi32, #tpu.memory_space<vmem>> -> memref<1x16xi32, #tpu.memory_space<vmem>>
    %dma_start3A_7 = tpu.memref_squeeze %dma_start3A_6 : memref<1x16xi32, #tpu.memory_space<vmem>> -> memref<16xi32, #tpu.memory_space<vmem>>
    %dma_start3A_8 = arith.constant 0 : i32
    %dma_start3A_9 = arith.constant 0 : i32
    %dma_start3A_10 = tpu.memref_slice %arg2[%dma_start3A_8, %dma_start3A_9] : memref<512x1024xf32, #tpu.memory_space<hbm>> -> memref<512x1024xf32, #tpu.memory_space<hbm>>
    tpu.enqueue_indirect_dma source(%dma_start3A_10 : memref<512x1024xf32, #tpu.memory_space<hbm>>) target(%arg6 : memref<16x1024xf32, #tpu.memory_space<vmem>>) offsets(%dma_start3A_7 : memref<16xi32, #tpu.memory_space<vmem>>) semaphore(%arg12 : memref<!tpu.dma_semaphore, #tpu.memory_space<semaphore_mem>>)
    %dma_start3A_11 = arith.constant 0 : i32
    %dma_start3A_12 = arith.constant 16 : i32
    %dma_start3A_13 = tpu.memref_slice %arg5[%dma_start3A_11, %dma_start3A_12] : memref<4x64xi32, #tpu.memory_space<vmem>> -> memref<1x16xi32, #tpu.memory_space<vmem>>
    %dma_start3A_14 = tpu.memref_squeeze %dma_start3A_13 : memref<1x16xi32, #tpu.memory_space<vmem>> -> memref<16xi32, #tpu.memory_space<vmem>>
    %dma_start3A_15 = arith.constant 0 : i32
    %dma_start3A_16 = arith.constant 0 : i32
    %dma_start3A_17 = tpu.memref_slice %arg2[%dma_start3A_15, %dma_start3A_16] : memref<512x1024xf32, #tpu.memory_space<hbm>> -> memref<512x1024xf32, #tpu.memory_space<hbm>>
    tpu.enqueue_indirect_dma source(%dma_start3A_17 : memref<512x1024xf32, #tpu.memory_space<hbm>>) target(%arg7 : memref<16x1024xf32, #tpu.memory_space<vmem>>) offsets(%dma_start3A_14 : memref<16xi32, #tpu.memory_space<vmem>>) semaphore(%arg13 : memref<!tpu.dma_semaphore, #tpu.memory_space<semaphore_mem>>)
    %dma_start3A_18 = arith.constant 0 : i32
    %dma_start3A_19 = arith.constant 32 : i32
    %dma_start3A_20 = tpu.memref_slice %arg5[%dma_start3A_18, %dma_start3A_19] : memref<4x64xi32, #tpu.memory_space<vmem>> -> memref<1x16xi32, #tpu.memory_space<vmem>>
    %dma_start3A_21 = tpu.memref_squeeze %dma_start3A_20 : memref<1x16xi32, #tpu.memory_space<vmem>> -> memref<16xi32, #tpu.memory_space<vmem>>
    %dma_start3A_22 = arith.constant 0 : i32
    %dma_start3A_23 = arith.constant 0 : i32
    %dma_start3A_24 = tpu.memref_slice %arg2[%dma_start3A_22, %dma_start3A_23] : memref<512x1024xf32, #tpu.memory_space<hbm>> -> memref<512x1024xf32, #tpu.memory_space<hbm>>
    tpu.enqueue_indirect_dma source(%dma_start3A_24 : memref<512x1024xf32, #tpu.memory_space<hbm>>) target(%arg8 : memref<16x1024xf32, #tpu.memory_space<vmem>>) offsets(%dma_start3A_21 : memref<16xi32, #tpu.memory_space<vmem>>) semaphore(%arg14 : memref<!tpu.dma_semaphore, #tpu.memory_space<semaphore_mem>>)
    %dma_start3A_25 = arith.constant 0 : i32
    %dma_start3A_26 = arith.constant 48 : i32
    %dma_start3A_27 = tpu.memref_slice %arg5[%dma_start3A_25, %dma_start3A_26] : memref<4x64xi32, #tpu.memory_space<vmem>> -> memref<1x16xi32, #tpu.memory_space<vmem>>
    %dma_start3A_28 = tpu.memref_squeeze %dma_start3A_27 : memref<1x16xi32, #tpu.memory_space<vmem>> -> memref<16xi32, #tpu.memory_space<vmem>>
    %dma_start3A_29 = arith.constant 0 : i32
    %dma_start3A_30 = arith.constant 0 : i32
    %dma_start3A_31 = tpu.memref_slice %arg2[%dma_start3A_29, %dma_start3A_30] : memref<512x1024xf32, #tpu.memory_space<hbm>> -> memref<512x1024xf32, #tpu.memory_space<hbm>>
    tpu.enqueue_indirect_dma source(%dma_start3A_31 : memref<512x1024xf32, #tpu.memory_space<hbm>>) target(%arg9 : memref<16x1024xf32, #tpu.memory_space<vmem>>) offsets(%dma_start3A_28 : memref<16xi32, #tpu.memory_space<vmem>>) semaphore(%arg15 : memref<!tpu.dma_semaphore, #tpu.memory_space<semaphore_mem>>)
    %dma_start3A_32 = arith.constant 1 : i32
    %dma_start3A_33 = arith.constant 0 : i32
    %dma_start3A_34 = tpu.memref_slice %arg5[%dma_start3A_32, %dma_start3A_33] : memref<4x64xi32, #tpu.memory_space<vmem>> -> memref<1x16xi32, #tpu.memory_space<vmem>>
    %dma_start3A_35 = tpu.memref_squeeze %dma_start3A_34 : memref<1x16xi32, #tpu.memory_space<vmem>> -> memref<16xi32, #tpu.memory_space<vmem>>
    %dma_start3A_36 = arith.constant 0 : i32
    %dma_start3A_37 = arith.constant 0 : i32
    %dma_start3A_38 = tpu.memref_slice %arg2[%dma_start3A_36, %dma_start3A_37] : memref<512x1024xf32, #tpu.memory_space<hbm>> -> memref<512x1024xf32, #tpu.memory_space<hbm>>
    tpu.enqueue_indirect_dma source(%dma_start3A_38 : memref<512x1024xf32, #tpu.memory_space<hbm>>) target(%arg10 : memref<16x1024xf32, #tpu.memory_space<vmem>>) offsets(%dma_start3A_35 : memref<16xi32, #tpu.memory_space<vmem>>) semaphore(%arg16 : memref<!tpu.dma_semaphore, #tpu.memory_space<semaphore_mem>>)
    %dma_start3A_39 = arith.constant 1 : i32
    %dma_start3A_40 = arith.constant 16 : i32
    %dma_start3A_41 = tpu.memref_slice %arg5[%dma_start3A_39, %dma_start3A_40] : memref<4x64xi32, #tpu.memory_space<vmem>> -> memref<1x16xi32, #tpu.memory_space<vmem>>
    %dma_start3A_42 = tpu.memref_squeeze %dma_start3A_41 : memref<1x16xi32, #tpu.memory_space<vmem>> -> memref<16xi32, #tpu.memory_space<vmem>>
    %dma_start3A_43 = arith.constant 0 : i32
    %dma_start3A_44 = arith.constant 0 : i32
    %dma_start3A_45 = tpu.memref_slice %arg2[%dma_start3A_43, %dma_start3A_44] : memref<512x1024xf32, #tpu.memory_space<hbm>> -> memref<512x1024xf32, #tpu.memory_space<hbm>>
    tpu.enqueue_indirect_dma source(%dma_start3A_45 : memref<512x1024xf32, #tpu.memory_space<hbm>>) target(%arg11 : memref<16x1024xf32, #tpu.memory_space<vmem>>) offsets(%dma_start3A_42 : memref<16xi32, #tpu.memory_space<vmem>>) semaphore(%arg17 : memref<!tpu.dma_semaphore, #tpu.memory_space<semaphore_mem>>)
    %dma_wait3A = arith.constant 0 : i32
    %dma_wait3A_46 = arith.constant 0 : i32
    %dma_wait3A_47 = tpu.memref_slice %arg5[%dma_wait3A, %dma_wait3A_46] : memref<4x64xi32, #tpu.memory_space<vmem>> -> memref<1x16xi32, #tpu.memory_space<vmem>>
    %dma_wait3A_48 = tpu.memref_squeeze %dma_wait3A_47 : memref<1x16xi32, #tpu.memory_space<vmem>> -> memref<16xi32, #tpu.memory_space<vmem>>
    %dma_wait3A_49 = arith.constant 0 : i32
    %dma_wait3A_50 = arith.constant 0 : i32
    %dma_wait3A_51 = tpu.memref_slice %arg2[%dma_wait3A_49, %dma_wait3A_50] : memref<512x1024xf32, #tpu.memory_space<hbm>> -> memref<512x1024xf32, #tpu.memory_space<hbm>>
    tpu.wait_indirect_dma semaphore(%arg12 : memref<!tpu.dma_semaphore, #tpu.memory_space<semaphore_mem>>) src(%dma_wait3A_51 : memref<512x1024xf32, #tpu.memory_space<hbm>>) dst(%arg6 : memref<16x1024xf32, #tpu.memory_space<vmem>>)
    %add3A_52 = arith.constant 0 : i32
    %add3A_53 = arith.addi %mul3A_2, %add3A_52 : i32
    %mul3A_54 = arith.constant 16 : i32
    %mul3A_55 = arith.muli %add3A_53, %mul3A_54 : i32
    %dma_start3A_56 = arith.constant 0 : i32
    %dma_start3A_57 = tpu.memref_slice %arg4[%mul3A_55, %dma_start3A_56] : memref<8192x1024xf32, #tpu.memory_space<hbm>> -> memref<16x1024xf32, #tpu.memory_space<hbm>>
    %dma_start3A_58 = arith.constant 0 : i32
    %dma_start3A_59 = tpu.memref_slice %arg4[%mul3A_55, %dma_start3A_58] : memref<8192x1024xf32, #tpu.memory_space<hbm>> -> memref<16x1024xf32, #tpu.memory_space<hbm>>
    tpu.enqueue_dma source(%arg6 : memref<16x1024xf32, #tpu.memory_space<vmem>>) target(%dma_start3A_59 : memref<16x1024xf32, #tpu.memory_space<hbm>>) target_semaphore(%arg18 : memref<!tpu.dma_semaphore, #tpu.memory_space<semaphore_mem>>)
    %dma_wait3A_60 = arith.constant 0 : i32
    %dma_wait3A_61 = arith.constant 16 : i32
    %dma_wait3A_62 = tpu.memref_slice %arg5[%dma_wait3A_60, %dma_wait3A_61] : memref<4x64xi32, #tpu.memory_space<vmem>> -> memref<1x16xi32, #tpu.memory_space<vmem>>
    %dma_wait3A_63 = tpu.memref_squeeze %dma_wait3A_62 : memref<1x16xi32, #tpu.memory_space<vmem>> -> memref<16xi32, #tpu.memory_space<vmem>>
    %dma_wait3A_64 = arith.constant 0 : i32
    %dma_wait3A_65 = arith.constant 0 : i32
    %dma_wait3A_66 = tpu.memref_slice %arg2[%dma_wait3A_64, %dma_wait3A_65] : memref<512x1024xf32, #tpu.memory_space<hbm>> -> memref<512x1024xf32, #tpu.memory_space<hbm>>
    tpu.wait_indirect_dma semaphore(%arg13 : memref<!tpu.dma_semaphore, #tpu.memory_space<semaphore_mem>>) src(%dma_wait3A_66 : memref<512x1024xf32, #tpu.memory_space<hbm>>) dst(%arg7 : memref<16x1024xf32, #tpu.memory_space<vmem>>)
    %add3A_67 = arith.constant 1 : i32
    %add3A_68 = arith.addi %mul3A_2, %add3A_67 : i32
    %mul3A_69 = arith.constant 16 : i32
    %mul3A_70 = arith.muli %add3A_68, %mul3A_69 : i32
    %dma_start3A_71 = arith.constant 0 : i32
    %dma_start3A_72 = tpu.memref_slice %arg4[%mul3A_70, %dma_start3A_71] : memref<8192x1024xf32, #tpu.memory_space<hbm>> -> memref<16x1024xf32, #tpu.memory_space<hbm>>
    %dma_start3A_73 = arith.constant 0 : i32
    %dma_start3A_74 = tpu.memref_slice %arg4[%mul3A_70, %dma_start3A_73] : memref<8192x1024xf32, #tpu.memory_space<hbm>> -> memref<16x1024xf32, #tpu.memory_space<hbm>>
    tpu.enqueue_dma source(%arg7 : memref<16x1024xf32, #tpu.memory_space<vmem>>) target(%dma_start3A_74 : memref<16x1024xf32, #tpu.memory_space<hbm>>) target_semaphore(%arg19 : memref<!tpu.dma_semaphore, #tpu.memory_space<semaphore_mem>>)
    %dma_wait3A_75 = arith.constant 0 : i32
    %dma_wait3A_76 = arith.constant 32 : i32
    %dma_wait3A_77 = tpu.memref_slice %arg5[%dma_wait3A_75, %dma_wait3A_76] : memref<4x64xi32, #tpu.memory_space<vmem>> -> memref<1x16xi32, #tpu.memory_space<vmem>>
    %dma_wait3A_78 = tpu.memref_squeeze %dma_wait3A_77 : memref<1x16xi32, #tpu.memory_space<vmem>> -> memref<16xi32, #tpu.memory_space<vmem>>
    %dma_wait3A_79 = arith.constant 0 : i32
    %dma_wait3A_80 = arith.constant 0 : i32
    %dma_wait3A_81 = tpu.memref_slice %arg2[%dma_wait3A_79, %dma_wait3A_80] : memref<512x1024xf32, #tpu.memory_space<hbm>> -> memref<512x1024xf32, #tpu.memory_space<hbm>>
    tpu.wait_indirect_dma semaphore(%arg14 : memref<!tpu.dma_semaphore, #tpu.memory_space<semaphore_mem>>) src(%dma_wait3A_81 : memref<512x1024xf32, #tpu.memory_space<hbm>>) dst(%arg8 : memref<16x1024xf32, #tpu.memory_space<vmem>>)
    %add3A_82 = arith.constant 2 : i32
    %add3A_83 = arith.addi %mul3A_2, %add3A_82 : i32
    %mul3A_84 = arith.constant 16 : i32
    %mul3A_85 = arith.muli %add3A_83, %mul3A_84 : i32
    %dma_start3A_86 = arith.constant 0 : i32
    %dma_start3A_87 = tpu.memref_slice %arg4[%mul3A_85, %dma_start3A_86] : memref<8192x1024xf32, #tpu.memory_space<hbm>> -> memref<16x1024xf32, #tpu.memory_space<hbm>>
    %dma_start3A_88 = arith.constant 0 : i32
    %dma_start3A_89 = tpu.memref_slice %arg4[%mul3A_85, %dma_start3A_88] : memref<8192x1024xf32, #tpu.memory_space<hbm>> -> memref<16x1024xf32, #tpu.memory_space<hbm>>
    tpu.enqueue_dma source(%arg8 : memref<16x1024xf32, #tpu.memory_space<vmem>>) target(%dma_start3A_89 : memref<16x1024xf32, #tpu.memory_space<hbm>>) target_semaphore(%arg20 : memref<!tpu.dma_semaphore, #tpu.memory_space<semaphore_mem>>)
    %dma_wait3A_90 = arith.constant 0 : i32
    %dma_wait3A_91 = tpu.memref_slice %arg4[%mul3A_55, %dma_wait3A_90] : memref<8192x1024xf32, #tpu.memory_space<hbm>> -> memref<16x1024xf32, #tpu.memory_space<hbm>>
    %dma_wait3A_92 = arith.constant 0 : i32
    %dma_wait3A_93 = tpu.memref_slice %arg4[%mul3A_55, %dma_wait3A_92] : memref<8192x1024xf32, #tpu.memory_space<hbm>> -> memref<16x1024xf32, #tpu.memory_space<hbm>>
    tpu.wait_dma2 semaphore(%arg18 : memref<!tpu.dma_semaphore, #tpu.memory_space<semaphore_mem>>) src(%arg6 : memref<16x1024xf32, #tpu.memory_space<vmem>>) dst(%dma_wait3A_93 : memref<16x1024xf32, #tpu.memory_space<hbm>>)
    %dma_start3A_94 = arith.constant 1 : i32
    %dma_start3A_95 = arith.constant 32 : i32
    %dma_start3A_96 = tpu.memref_slice %arg5[%dma_start3A_94, %dma_start3A_95] : memref<4x64xi32, #tpu.memory_space<vmem>> -> memref<1x16xi32, #tpu.memory_space<vmem>>
    %dma_start3A_97 = tpu.memref_squeeze %dma_start3A_96 : memref<1x16xi32, #tpu.memory_space<vmem>> -> memref<16xi32, #tpu.memory_space<vmem>>
    %dma_start3A_98 = arith.constant 0 : i32
    %dma_start3A_99 = arith.constant 0 : i32
    %dma_start3A_100 = tpu.memref_slice %arg2[%dma_start3A_98, %dma_start3A_99] : memref<512x1024xf32, #tpu.memory_space<hbm>> -> memref<512x1024xf32, #tpu.memory_space<hbm>>
    tpu.enqueue_indirect_dma source(%dma_start3A_100 : memref<512x1024xf32, #tpu.memory_space<hbm>>) target(%arg6 : memref<16x1024xf32, #tpu.memory_space<vmem>>) offsets(%dma_start3A_97 : memref<16xi32, #tpu.memory_space<vmem>>) semaphore(%arg12 : memref<!tpu.dma_semaphore, #tpu.memory_space<semaphore_mem>>)
    %dma_wait3A_101 = arith.constant 0 : i32
    %dma_wait3A_102 = arith.constant 48 : i32
    %dma_wait3A_103 = tpu.memref_slice %arg5[%dma_wait3A_101, %dma_wait3A_102] : memref<4x64xi32, #tpu.memory_space<vmem>> -> memref<1x16xi32, #tpu.memory_space<vmem>>
    %dma_wait3A_104 = tpu.memref_squeeze %dma_wait3A_103 : memref<1x16xi32, #tpu.memory_space<vmem>> -> memref<16xi32, #tpu.memory_space<vmem>>
    %dma_wait3A_105 = arith.constant 0 : i32
    %dma_wait3A_106 = arith.constant 0 : i32
    %dma_wait3A_107 = tpu.memref_slice %arg2[%dma_wait3A_105, %dma_wait3A_106] : memref<512x1024xf32, #tpu.memory_space<hbm>> -> memref<512x1024xf32, #tpu.memory_space<hbm>>
    tpu.wait_indirect_dma semaphore(%arg15 : memref<!tpu.dma_semaphore, #tpu.memory_space<semaphore_mem>>) src(%dma_wait3A_107 : memref<512x1024xf32, #tpu.memory_space<hbm>>) dst(%arg9 : memref<16x1024xf32, #tpu.memory_space<vmem>>)
    %add3A_108 = arith.constant 3 : i32
    %add3A_109 = arith.addi %mul3A_2, %add3A_108 : i32
    %mul3A_110 = arith.constant 16 : i32
    %mul3A_111 = arith.muli %add3A_109, %mul3A_110 : i32
    %dma_start3A_112 = arith.constant 0 : i32
    %dma_start3A_113 = tpu.memref_slice %arg4[%mul3A_111, %dma_start3A_112] : memref<8192x1024xf32, #tpu.memory_space<hbm>> -> memref<16x1024xf32, #tpu.memory_space<hbm>>
    %dma_start3A_114 = arith.constant 0 : i32
    %dma_start3A_115 = tpu.memref_slice %arg4[%mul3A_111, %dma_start3A_114] : memref<8192x1024xf32, #tpu.memory_space<hbm>> -> memref<16x1024xf32, #tpu.memory_space<hbm>>
    tpu.enqueue_dma source(%arg9 : memref<16x1024xf32, #tpu.memory_space<vmem>>) target(%dma_start3A_115 : memref<16x1024xf32, #tpu.memory_space<hbm>>) target_semaphore(%arg21 : memref<!tpu.dma_semaphore, #tpu.memory_space<semaphore_mem>>)
    %dma_wait3A_116 = arith.constant 0 : i32
    %dma_wait3A_117 = tpu.memref_slice %arg4[%mul3A_70, %dma_wait3A_116] : memref<8192x1024xf32, #tpu.memory_space<hbm>> -> memref<16x1024xf32, #tpu.memory_space<hbm>>
    %dma_wait3A_118 = arith.constant 0 : i32
    %dma_wait3A_119 = tpu.memref_slice %arg4[%mul3A_70, %dma_wait3A_118] : memref<8192x1024xf32, #tpu.memory_space<hbm>> -> memref<16x1024xf32, #tpu.memory_space<hbm>>
    tpu.wait_dma2 semaphore(%arg19 : memref<!tpu.dma_semaphore, #tpu.memory_space<semaphore_mem>>) src(%arg7 : memref<16x1024xf32, #tpu.memory_space<vmem>>) dst(%dma_wait3A_119 : memref<16x1024xf32, #tpu.memory_space<hbm>>)
    %dma_start3A_120 = arith.constant 1 : i32
    %dma_start3A_121 = arith.constant 48 : i32
    %dma_start3A_122 = tpu.memref_slice %arg5[%dma_start3A_120, %dma_start3A_121] : memref<4x64xi32, #tpu.memory_space<vmem>> -> memref<1x16xi32, #tpu.memory_space<vmem>>
    %dma_start3A_123 = tpu.memref_squeeze %dma_start3A_122 : memref<1x16xi32, #tpu.memory_space<vmem>> -> memref<16xi32, #tpu.memory_space<vmem>>
    %dma_start3A_124 = arith.constant 0 : i32
    %dma_start3A_125 = arith.constant 0 : i32
    %dma_start3A_126 = tpu.memref_slice %arg2[%dma_start3A_124, %dma_start3A_125] : memref<512x1024xf32, #tpu.memory_space<hbm>> -> memref<512x1024xf32, #tpu.memory_space<hbm>>
    tpu.enqueue_indirect_dma source(%dma_start3A_126 : memref<512x1024xf32, #tpu.memory_space<hbm>>) target(%arg7 : memref<16x1024xf32, #tpu.memory_space<vmem>>) offsets(%dma_start3A_123 : memref<16xi32, #tpu.memory_space<vmem>>) semaphore(%arg13 : memref<!tpu.dma_semaphore, #tpu.memory_space<semaphore_mem>>)
    %dma_wait3A_127 = arith.constant 1 : i32
    %dma_wait3A_128 = arith.constant 0 : i32
    %dma_wait3A_129 = tpu.memref_slice %arg5[%dma_wait3A_127, %dma_wait3A_128] : memref<4x64xi32, #tpu.memory_space<vmem>> -> memref<1x16xi32, #tpu.memory_space<vmem>>
    %dma_wait3A_130 = tpu.memref_squeeze %dma_wait3A_129 : memref<1x16xi32, #tpu.memory_space<vmem>> -> memref<16xi32, #tpu.memory_space<vmem>>
    %dma_wait3A_131 = arith.constant 0 : i32
    %dma_wait3A_132 = arith.constant 0 : i32
    %dma_wait3A_133 = tpu.memref_slice %arg2[%dma_wait3A_131, %dma_wait3A_132] : memref<512x1024xf32, #tpu.memory_space<hbm>> -> memref<512x1024xf32, #tpu.memory_space<hbm>>
    tpu.wait_indirect_dma semaphore(%arg16 : memref<!tpu.dma_semaphore, #tpu.memory_space<semaphore_mem>>) src(%dma_wait3A_133 : memref<512x1024xf32, #tpu.memory_space<hbm>>) dst(%arg10 : memref<16x1024xf32, #tpu.memory_space<vmem>>)
    %add3A_134 = arith.constant 4 : i32
    %add3A_135 = arith.addi %mul3A_2, %add3A_134 : i32
    %mul3A_136 = arith.constant 16 : i32
    %mul3A_137 = arith.muli %add3A_135, %mul3A_136 : i32
    %dma_start3A_138 = arith.constant 0 : i32
    %dma_start3A_139 = tpu.memref_slice %arg4[%mul3A_137, %dma_start3A_138] : memref<8192x1024xf32, #tpu.memory_space<hbm>> -> memref<16x1024xf32, #tpu.memory_space<hbm>>
    %dma_start3A_140 = arith.constant 0 : i32
    %dma_start3A_141 = tpu.memref_slice %arg4[%mul3A_137, %dma_start3A_140] : memref<8192x1024xf32, #tpu.memory_space<hbm>> -> memref<16x1024xf32, #tpu.memory_space<hbm>>
    tpu.enqueue_dma source(%arg10 : memref<16x1024xf32, #tpu.memory_space<vmem>>) target(%dma_start3A_141 : memref<16x1024xf32, #tpu.memory_space<hbm>>) target_semaphore(%arg22 : memref<!tpu.dma_semaphore, #tpu.memory_space<semaphore_mem>>)
    %dma_wait3A_142 = arith.constant 0 : i32
    %dma_wait3A_143 = tpu.memref_slice %arg4[%mul3A_85, %dma_wait3A_142] : memref<8192x1024xf32, #tpu.memory_space<hbm>> -> memref<16x1024xf32, #tpu.memory_space<hbm>>
    %dma_wait3A_144 = arith.constant 0 : i32
    %dma_wait3A_145 = tpu.memref_slice %arg4[%mul3A_85, %dma_wait3A_144] : memref<8192x1024xf32, #tpu.memory_space<hbm>> -> memref<16x1024xf32, #tpu.memory_space<hbm>>
    tpu.wait_dma2 semaphore(%arg20 : memref<!tpu.dma_semaphore, #tpu.memory_space<semaphore_mem>>) src(%arg8 : memref<16x1024xf32, #tpu.memory_space<vmem>>) dst(%dma_wait3A_145 : memref<16x1024xf32, #tpu.memory_space<hbm>>)
    %dma_start3A_146 = arith.constant 2 : i32
    %dma_start3A_147 = arith.constant 0 : i32
    %dma_start3A_148 = tpu.memref_slice %arg5[%dma_start3A_146, %dma_start3A_147] : memref<4x64xi32, #tpu.memory_space<vmem>> -> memref<1x16xi32, #tpu.memory_space<vmem>>
    %dma_start3A_149 = tpu.memref_squeeze %dma_start3A_148 : memref<1x16xi32, #tpu.memory_space<vmem>> -> memref<16xi32, #tpu.memory_space<vmem>>
    %dma_start3A_150 = arith.constant 0 : i32
    %dma_start3A_151 = arith.constant 0 : i32
    %dma_start3A_152 = tpu.memref_slice %arg2[%dma_start3A_150, %dma_start3A_151] : memref<512x1024xf32, #tpu.memory_space<hbm>> -> memref<512x1024xf32, #tpu.memory_space<hbm>>
    tpu.enqueue_indirect_dma source(%dma_start3A_152 : memref<512x1024xf32, #tpu.memory_space<hbm>>) target(%arg8 : memref<16x1024xf32, #tpu.memory_space<vmem>>) offsets(%dma_start3A_149 : memref<16xi32, #tpu.memory_space<vmem>>) semaphore(%arg14 : memref<!tpu.dma_semaphore, #tpu.memory_space<semaphore_mem>>)
    %dma_wait3A_153 = arith.constant 1 : i32
    %dma_wait3A_154 = arith.constant 16 : i32
    %dma_wait3A_155 = tpu.memref_slice %arg5[%dma_wait3A_153, %dma_wait3A_154] : memref<4x64xi32, #tpu.memory_space<vmem>> -> memref<1x16xi32, #tpu.memory_space<vmem>>
    %dma_wait3A_156 = tpu.memref_squeeze %dma_wait3A_155 : memref<1x16xi32, #tpu.memory_space<vmem>> -> memref<16xi32, #tpu.memory_space<vmem>>
    %dma_wait3A_157 = arith.constant 0 : i32
    %dma_wait3A_158 = arith.constant 0 : i32
    %dma_wait3A_159 = tpu.memref_slice %arg2[%dma_wait3A_157, %dma_wait3A_158] : memref<512x1024xf32, #tpu.memory_space<hbm>> -> memref<512x1024xf32, #tpu.memory_space<hbm>>
    tpu.wait_indirect_dma semaphore(%arg17 : memref<!tpu.dma_semaphore, #tpu.memory_space<semaphore_mem>>) src(%dma_wait3A_159 : memref<512x1024xf32, #tpu.memory_space<hbm>>) dst(%arg11 : memref<16x1024xf32, #tpu.memory_space<vmem>>)
    %add3A_160 = arith.constant 5 : i32
    %add3A_161 = arith.addi %mul3A_2, %add3A_160 : i32
    %mul3A_162 = arith.constant 16 : i32
    %mul3A_163 = arith.muli %add3A_161, %mul3A_162 : i32
    %dma_start3A_164 = arith.constant 0 : i32
    %dma_start3A_165 = tpu.memref_slice %arg4[%mul3A_163, %dma_start3A_164] : memref<8192x1024xf32, #tpu.memory_space<hbm>> -> memref<16x1024xf32, #tpu.memory_space<hbm>>
    %dma_start3A_166 = arith.constant 0 : i32
    %dma_start3A_167 = tpu.memref_slice %arg4[%mul3A_163, %dma_start3A_166] : memref<8192x1024xf32, #tpu.memory_space<hbm>> -> memref<16x1024xf32, #tpu.memory_space<hbm>>
    tpu.enqueue_dma source(%arg11 : memref<16x1024xf32, #tpu.memory_space<vmem>>) target(%dma_start3A_167 : memref<16x1024xf32, #tpu.memory_space<hbm>>) target_semaphore(%arg23 : memref<!tpu.dma_semaphore, #tpu.memory_space<semaphore_mem>>)
    %dma_wait3A_168 = arith.constant 0 : i32
    %dma_wait3A_169 = tpu.memref_slice %arg4[%mul3A_111, %dma_wait3A_168] : memref<8192x1024xf32, #tpu.memory_space<hbm>> -> memref<16x1024xf32, #tpu.memory_space<hbm>>
    %dma_wait3A_170 = arith.constant 0 : i32
    %dma_wait3A_171 = tpu.memref_slice %arg4[%mul3A_111, %dma_wait3A_170] : memref<8192x1024xf32, #tpu.memory_space<hbm>> -> memref<16x1024xf32, #tpu.memory_space<hbm>>
    tpu.wait_dma2 semaphore(%arg21 : memref<!tpu.dma_semaphore, #tpu.memory_space<semaphore_mem>>) src(%arg9 : memref<16x1024xf32, #tpu.memory_space<vmem>>) dst(%dma_wait3A_171 : memref<16x1024xf32, #tpu.memory_space<hbm>>)
    %dma_start3A_172 = arith.constant 2 : i32
    %dma_start3A_173 = arith.constant 16 : i32
    %dma_start3A_174 = tpu.memref_slice %arg5[%dma_start3A_172, %dma_start3A_173] : memref<4x64xi32, #tpu.memory_space<vmem>> -> memref<1x16xi32, #tpu.memory_space<vmem>>
    %dma_start3A_175 = tpu.memref_squeeze %dma_start3A_174 : memref<1x16xi32, #tpu.memory_space<vmem>> -> memref<16xi32, #tpu.memory_space<vmem>>
    %dma_start3A_176 = arith.constant 0 : i32
    %dma_start3A_177 = arith.constant 0 : i32
    %dma_start3A_178 = tpu.memref_slice %arg2[%dma_start3A_176, %dma_start3A_177] : memref<512x1024xf32, #tpu.memory_space<hbm>> -> memref<512x1024xf32, #tpu.memory_space<hbm>>
    tpu.enqueue_indirect_dma source(%dma_start3A_178 : memref<512x1024xf32, #tpu.memory_space<hbm>>) target(%arg9 : memref<16x1024xf32, #tpu.memory_space<vmem>>) offsets(%dma_start3A_175 : memref<16xi32, #tpu.memory_space<vmem>>) semaphore(%arg15 : memref<!tpu.dma_semaphore, #tpu.memory_space<semaphore_mem>>)
    %dma_wait3A_179 = arith.constant 1 : i32
    %dma_wait3A_180 = arith.constant 32 : i32
    %dma_wait3A_181 = tpu.memref_slice %arg5[%dma_wait3A_179, %dma_wait3A_180] : memref<4x64xi32, #tpu.memory_space<vmem>> -> memref<1x16xi32, #tpu.memory_space<vmem>>
    %dma_wait3A_182 = tpu.memref_squeeze %dma_wait3A_181 : memref<1x16xi32, #tpu.memory_space<vmem>> -> memref<16xi32, #tpu.memory_space<vmem>>
    %dma_wait3A_183 = arith.constant 0 : i32
    %dma_wait3A_184 = arith.constant 0 : i32
    %dma_wait3A_185 = tpu.memref_slice %arg2[%dma_wait3A_183, %dma_wait3A_184] : memref<512x1024xf32, #tpu.memory_space<hbm>> -> memref<512x1024xf32, #tpu.memory_space<hbm>>
    tpu.wait_indirect_dma semaphore(%arg12 : memref<!tpu.dma_semaphore, #tpu.memory_space<semaphore_mem>>) src(%dma_wait3A_185 : memref<512x1024xf32, #tpu.memory_space<hbm>>) dst(%arg6 : memref<16x1024xf32, #tpu.memory_space<vmem>>)
    %add3A_186 = arith.constant 6 : i32
    %add3A_187 = arith.addi %mul3A_2, %add3A_186 : i32
    %mul3A_188 = arith.constant 16 : i32
    %mul3A_189 = arith.muli %add3A_187, %mul3A_188 : i32
    %dma_start3A_190 = arith.constant 0 : i32
    %dma_start3A_191 = tpu.memref_slice %arg4[%mul3A_189, %dma_start3A_190] : memref<8192x1024xf32, #tpu.memory_space<hbm>> -> memref<16x1024xf32, #tpu.memory_space<hbm>>
    %dma_start3A_192 = arith.constant 0 : i32
    %dma_start3A_193 = tpu.memref_slice %arg4[%mul3A_189, %dma_start3A_192] : memref<8192x1024xf32, #tpu.memory_space<hbm>> -> memref<16x1024xf32, #tpu.memory_space<hbm>>
    tpu.enqueue_dma source(%arg6 : memref<16x1024xf32, #tpu.memory_space<vmem>>) target(%dma_start3A_193 : memref<16x1024xf32, #tpu.memory_space<hbm>>) target_semaphore(%arg18 : memref<!tpu.dma_semaphore, #tpu.memory_space<semaphore_mem>>)
    %dma_wait3A_194 = arith.constant 0 : i32
    %dma_wait3A_195 = tpu.memref_slice %arg4[%mul3A_137, %dma_wait3A_194] : memref<8192x1024xf32, #tpu.memory_space<hbm>> -> memref<16x1024xf32, #tpu.memory_space<hbm>>
    %dma_wait3A_196 = arith.constant 0 : i32
    %dma_wait3A_197 = tpu.memref_slice %arg4[%mul3A_137, %dma_wait3A_196] : memref<8192x1024xf32, #tpu.memory_space<hbm>> -> memref<16x1024xf32, #tpu.memory_space<hbm>>
    tpu.wait_dma2 semaphore(%arg22 : memref<!tpu.dma_semaphore, #tpu.memory_space<semaphore_mem>>) src(%arg10 : memref<16x1024xf32, #tpu.memory_space<vmem>>) dst(%dma_wait3A_197 : memref<16x1024xf32, #tpu.memory_space<hbm>>)
    %dma_start3A_198 = arith.constant 2 : i32
    %dma_start3A_199 = arith.constant 32 : i32
    %dma_start3A_200 = tpu.memref_slice %arg5[%dma_start3A_198, %dma_start3A_199] : memref<4x64xi32, #tpu.memory_space<vmem>> -> memref<1x16xi32, #tpu.memory_space<vmem>>
    %dma_start3A_201 = tpu.memref_squeeze %dma_start3A_200 : memref<1x16xi32, #tpu.memory_space<vmem>> -> memref<16xi32, #tpu.memory_space<vmem>>
    %dma_start3A_202 = arith.constant 0 : i32
    %dma_start3A_203 = arith.constant 0 : i32
    %dma_start3A_204 = tpu.memref_slice %arg2[%dma_start3A_202, %dma_start3A_203] : memref<512x1024xf32, #tpu.memory_space<hbm>> -> memref<512x1024xf32, #tpu.memory_space<hbm>>
    tpu.enqueue_indirect_dma source(%dma_start3A_204 : memref<512x1024xf32, #tpu.memory_space<hbm>>) target(%arg10 : memref<16x1024xf32, #tpu.memory_space<vmem>>) offsets(%dma_start3A_201 : memref<16xi32, #tpu.memory_space<vmem>>) semaphore(%arg16 : memref<!tpu.dma_semaphore, #tpu.memory_space<semaphore_mem>>)
    %dma_wait3A_205 = arith.constant 1 : i32
    %dma_wait3A_206 = arith.constant 48 : i32
    %dma_wait3A_207 = tpu.memref_slice %arg5[%dma_wait3A_205, %dma_wait3A_206] : memref<4x64xi32, #tpu.memory_space<vmem>> -> memref<1x16xi32, #tpu.memory_space<vmem>>
    %dma_wait3A_208 = tpu.memref_squeeze %dma_wait3A_207 : memref<1x16xi32, #tpu.memory_space<vmem>> -> memref<16xi32, #tpu.memory_space<vmem>>
    %dma_wait3A_209 = arith.constant 0 : i32
    %dma_wait3A_210 = arith.constant 0 : i32
    %dma_wait3A_211 = tpu.memref_slice %arg2[%dma_wait3A_209, %dma_wait3A_210] : memref<512x1024xf32, #tpu.memory_space<hbm>> -> memref<512x1024xf32, #tpu.memory_space<hbm>>
    tpu.wait_indirect_dma semaphore(%arg13 : memref<!tpu.dma_semaphore, #tpu.memory_space<semaphore_mem>>) src(%dma_wait3A_211 : memref<512x1024xf32, #tpu.memory_space<hbm>>) dst(%arg7 : memref<16x1024xf32, #tpu.memory_space<vmem>>)
    %add3A_212 = arith.constant 7 : i32
    %add3A_213 = arith.addi %mul3A_2, %add3A_212 : i32
    %mul3A_214 = arith.constant 16 : i32
    %mul3A_215 = arith.muli %add3A_213, %mul3A_214 : i32
    %dma_start3A_216 = arith.constant 0 : i32
    %dma_start3A_217 = tpu.memref_slice %arg4[%mul3A_215, %dma_start3A_216] : memref<8192x1024xf32, #tpu.memory_space<hbm>> -> memref<16x1024xf32, #tpu.memory_space<hbm>>
    %dma_start3A_218 = arith.constant 0 : i32
    %dma_start3A_219 = tpu.memref_slice %arg4[%mul3A_215, %dma_start3A_218] : memref<8192x1024xf32, #tpu.memory_space<hbm>> -> memref<16x1024xf32, #tpu.memory_space<hbm>>
    tpu.enqueue_dma source(%arg7 : memref<16x1024xf32, #tpu.memory_space<vmem>>) target(%dma_start3A_219 : memref<16x1024xf32, #tpu.memory_space<hbm>>) target_semaphore(%arg19 : memref<!tpu.dma_semaphore, #tpu.memory_space<semaphore_mem>>)
    %dma_wait3A_220 = arith.constant 0 : i32
    %dma_wait3A_221 = tpu.memref_slice %arg4[%mul3A_163, %dma_wait3A_220] : memref<8192x1024xf32, #tpu.memory_space<hbm>> -> memref<16x1024xf32, #tpu.memory_space<hbm>>
    %dma_wait3A_222 = arith.constant 0 : i32
    %dma_wait3A_223 = tpu.memref_slice %arg4[%mul3A_163, %dma_wait3A_222] : memref<8192x1024xf32, #tpu.memory_space<hbm>> -> memref<16x1024xf32, #tpu.memory_space<hbm>>
    tpu.wait_dma2 semaphore(%arg23 : memref<!tpu.dma_semaphore, #tpu.memory_space<semaphore_mem>>) src(%arg11 : memref<16x1024xf32, #tpu.memory_space<vmem>>) dst(%dma_wait3A_223 : memref<16x1024xf32, #tpu.memory_space<hbm>>)
    %dma_start3A_224 = arith.constant 2 : i32
    %dma_start3A_225 = arith.constant 48 : i32
    %dma_start3A_226 = tpu.memref_slice %arg5[%dma_start3A_224, %dma_start3A_225] : memref<4x64xi32, #tpu.memory_space<vmem>> -> memref<1x16xi32, #tpu.memory_space<vmem>>
    %dma_start3A_227 = tpu.memref_squeeze %dma_start3A_226 : memref<1x16xi32, #tpu.memory_space<vmem>> -> memref<16xi32, #tpu.memory_space<vmem>>
    %dma_start3A_228 = arith.constant 0 : i32
    %dma_start3A_229 = arith.constant 0 : i32
    %dma_start3A_230 = tpu.memref_slice %arg2[%dma_start3A_228, %dma_start3A_229] : memref<512x1024xf32, #tpu.memory_space<hbm>> -> memref<512x1024xf32, #tpu.memory_space<hbm>>
    tpu.enqueue_indirect_dma source(%dma_start3A_230 : memref<512x1024xf32, #tpu.memory_space<hbm>>) target(%arg11 : memref<16x1024xf32, #tpu.memory_space<vmem>>) offsets(%dma_start3A_227 : memref<16xi32, #tpu.memory_space<vmem>>) semaphore(%arg17 : memref<!tpu.dma_semaphore, #tpu.memory_space<semaphore_mem>>)
    %dma_wait3A_231 = arith.constant 2 : i32
    %dma_wait3A_232 = arith.constant 0 : i32
    %dma_wait3A_233 = tpu.memref_slice %arg5[%dma_wait3A_231, %dma_wait3A_232] : memref<4x64xi32, #tpu.memory_space<vmem>> -> memref<1x16xi32, #tpu.memory_space<vmem>>
    %dma_wait3A_234 = tpu.memref_squeeze %dma_wait3A_233 : memref<1x16xi32, #tpu.memory_space<vmem>> -> memref<16xi32, #tpu.memory_space<vmem>>
    %dma_wait3A_235 = arith.constant 0 : i32
    %dma_wait3A_236 = arith.constant 0 : i32
    %dma_wait3A_237 = tpu.memref_slice %arg2[%dma_wait3A_235, %dma_wait3A_236] : memref<512x1024xf32, #tpu.memory_space<hbm>> -> memref<512x1024xf32, #tpu.memory_space<hbm>>
    tpu.wait_indirect_dma semaphore(%arg14 : memref<!tpu.dma_semaphore, #tpu.memory_space<semaphore_mem>>) src(%dma_wait3A_237 : memref<512x1024xf32, #tpu.memory_space<hbm>>) dst(%arg8 : memref<16x1024xf32, #tpu.memory_space<vmem>>)
    %add3A_238 = arith.constant 8 : i32
    %add3A_239 = arith.addi %mul3A_2, %add3A_238 : i32
    %mul3A_240 = arith.constant 16 : i32
    %mul3A_241 = arith.muli %add3A_239, %mul3A_240 : i32
    %dma_start3A_242 = arith.constant 0 : i32
    %dma_start3A_243 = tpu.memref_slice %arg4[%mul3A_241, %dma_start3A_242] : memref<8192x1024xf32, #tpu.memory_space<hbm>> -> memref<16x1024xf32, #tpu.memory_space<hbm>>
    %dma_start3A_244 = arith.constant 0 : i32
    %dma_start3A_245 = tpu.memref_slice %arg4[%mul3A_241, %dma_start3A_244] : memref<8192x1024xf32, #tpu.memory_space<hbm>> -> memref<16x1024xf32, #tpu.memory_space<hbm>>
    tpu.enqueue_dma source(%arg8 : memref<16x1024xf32, #tpu.memory_space<vmem>>) target(%dma_start3A_245 : memref<16x1024xf32, #tpu.memory_space<hbm>>) target_semaphore(%arg20 : memref<!tpu.dma_semaphore, #tpu.memory_space<semaphore_mem>>)
    %dma_wait3A_246 = arith.constant 0 : i32
    %dma_wait3A_247 = tpu.memref_slice %arg4[%mul3A_189, %dma_wait3A_246] : memref<8192x1024xf32, #tpu.memory_space<hbm>> -> memref<16x1024xf32, #tpu.memory_space<hbm>>
    %dma_wait3A_248 = arith.constant 0 : i32
    %dma_wait3A_249 = tpu.memref_slice %arg4[%mul3A_189, %dma_wait3A_248] : memref<8192x1024xf32, #tpu.memory_space<hbm>> -> memref<16x1024xf32, #tpu.memory_space<hbm>>
    tpu.wait_dma2 semaphore(%arg18 : memref<!tpu.dma_semaphore, #tpu.memory_space<semaphore_mem>>) src(%arg6 : memref<16x1024xf32, #tpu.memory_space<vmem>>) dst(%dma_wait3A_249 : memref<16x1024xf32, #tpu.memory_space<hbm>>)
    %dma_start3A_250 = arith.constant 3 : i32
    %dma_start3A_251 = arith.constant 0 : i32
    %dma_start3A_252 = tpu.memref_slice %arg5[%dma_start3A_250, %dma_start3A_251] : memref<4x64xi32, #tpu.memory_space<vmem>> -> memref<1x16xi32, #tpu.memory_space<vmem>>
    %dma_start3A_253 = tpu.memref_squeeze %dma_start3A_252 : memref<1x16xi32, #tpu.memory_space<vmem>> -> memref<16xi32, #tpu.memory_space<vmem>>
    %dma_start3A_254 = arith.constant 0 : i32
    %dma_start3A_255 = arith.constant 0 : i32
    %dma_start3A_256 = tpu.memref_slice %arg2[%dma_start3A_254, %dma_start3A_255] : memref<512x1024xf32, #tpu.memory_space<hbm>> -> memref<512x1024xf32, #tpu.memory_space<hbm>>
    tpu.enqueue_indirect_dma source(%dma_start3A_256 : memref<512x1024xf32, #tpu.memory_space<hbm>>) target(%arg6 : memref<16x1024xf32, #tpu.memory_space<vmem>>) offsets(%dma_start3A_253 : memref<16xi32, #tpu.memory_space<vmem>>) semaphore(%arg12 : memref<!tpu.dma_semaphore, #tpu.memory_space<semaphore_mem>>)
    %dma_wait3A_257 = arith.constant 2 : i32
    %dma_wait3A_258 = arith.constant 16 : i32
    %dma_wait3A_259 = tpu.memref_slice %arg5[%dma_wait3A_257, %dma_wait3A_258] : memref<4x64xi32, #tpu.memory_space<vmem>> -> memref<1x16xi32, #tpu.memory_space<vmem>>
    %dma_wait3A_260 = tpu.memref_squeeze %dma_wait3A_259 : memref<1x16xi32, #tpu.memory_space<vmem>> -> memref<16xi32, #tpu.memory_space<vmem>>
    %dma_wait3A_261 = arith.constant 0 : i32
    %dma_wait3A_262 = arith.constant 0 : i32
    %dma_wait3A_263 = tpu.memref_slice %arg2[%dma_wait3A_261, %dma_wait3A_262] : memref<512x1024xf32, #tpu.memory_space<hbm>> -> memref<512x1024xf32, #tpu.memory_space<hbm>>
    tpu.wait_indirect_dma semaphore(%arg15 : memref<!tpu.dma_semaphore, #tpu.memory_space<semaphore_mem>>) src(%dma_wait3A_263 : memref<512x1024xf32, #tpu.memory_space<hbm>>) dst(%arg9 : memref<16x1024xf32, #tpu.memory_space<vmem>>)
    %add3A_264 = arith.constant 9 : i32
    %add3A_265 = arith.addi %mul3A_2, %add3A_264 : i32
    %mul3A_266 = arith.constant 16 : i32
    %mul3A_267 = arith.muli %add3A_265, %mul3A_266 : i32
    %dma_start3A_268 = arith.constant 0 : i32
    %dma_start3A_269 = tpu.memref_slice %arg4[%mul3A_267, %dma_start3A_268] : memref<8192x1024xf32, #tpu.memory_space<hbm>> -> memref<16x1024xf32, #tpu.memory_space<hbm>>
    %dma_start3A_270 = arith.constant 0 : i32
    %dma_start3A_271 = tpu.memref_slice %arg4[%mul3A_267, %dma_start3A_270] : memref<8192x1024xf32, #tpu.memory_space<hbm>> -> memref<16x1024xf32, #tpu.memory_space<hbm>>
    tpu.enqueue_dma source(%arg9 : memref<16x1024xf32, #tpu.memory_space<vmem>>) target(%dma_start3A_271 : memref<16x1024xf32, #tpu.memory_space<hbm>>) target_semaphore(%arg21 : memref<!tpu.dma_semaphore, #tpu.memory_space<semaphore_mem>>)
    %dma_wait3A_272 = arith.constant 0 : i32
    %dma_wait3A_273 = tpu.memref_slice %arg4[%mul3A_215, %dma_wait3A_272] : memref<8192x1024xf32, #tpu.memory_space<hbm>> -> memref<16x1024xf32, #tpu.memory_space<hbm>>
    %dma_wait3A_274 = arith.constant 0 : i32
    %dma_wait3A_275 = tpu.memref_slice %arg4[%mul3A_215, %dma_wait3A_274] : memref<8192x1024xf32, #tpu.memory_space<hbm>> -> memref<16x1024xf32, #tpu.memory_space<hbm>>
    tpu.wait_dma2 semaphore(%arg19 : memref<!tpu.dma_semaphore, #tpu.memory_space<semaphore_mem>>) src(%arg7 : memref<16x1024xf32, #tpu.memory_space<vmem>>) dst(%dma_wait3A_275 : memref<16x1024xf32, #tpu.memory_space<hbm>>)
    %dma_start3A_276 = arith.constant 3 : i32
    %dma_start3A_277 = arith.constant 16 : i32
    %dma_start3A_278 = tpu.memref_slice %arg5[%dma_start3A_276, %dma_start3A_277] : memref<4x64xi32, #tpu.memory_space<vmem>> -> memref<1x16xi32, #tpu.memory_space<vmem>>
    %dma_start3A_279 = tpu.memref_squeeze %dma_start3A_278 : memref<1x16xi32, #tpu.memory_space<vmem>> -> memref<16xi32, #tpu.memory_space<vmem>>
    %dma_start3A_280 = arith.constant 0 : i32
    %dma_start3A_281 = arith.constant 0 : i32
    %dma_start3A_282 = tpu.memref_slice %arg2[%dma_start3A_280, %dma_start3A_281] : memref<512x1024xf32, #tpu.memory_space<hbm>> -> memref<512x1024xf32, #tpu.memory_space<hbm>>
    tpu.enqueue_indirect_dma source(%dma_start3A_282 : memref<512x1024xf32, #tpu.memory_space<hbm>>) target(%arg7 : memref<16x1024xf32, #tpu.memory_space<vmem>>) offsets(%dma_start3A_279 : memref<16xi32, #tpu.memory_space<vmem>>) semaphore(%arg13 : memref<!tpu.dma_semaphore, #tpu.memory_space<semaphore_mem>>)
    %dma_wait3A_283 = arith.constant 2 : i32
    %dma_wait3A_284 = arith.constant 32 : i32
    %dma_wait3A_285 = tpu.memref_slice %arg5[%dma_wait3A_283, %dma_wait3A_284] : memref<4x64xi32, #tpu.memory_space<vmem>> -> memref<1x16xi32, #tpu.memory_space<vmem>>
    %dma_wait3A_286 = tpu.memref_squeeze %dma_wait3A_285 : memref<1x16xi32, #tpu.memory_space<vmem>> -> memref<16xi32, #tpu.memory_space<vmem>>
    %dma_wait3A_287 = arith.constant 0 : i32
    %dma_wait3A_288 = arith.constant 0 : i32
    %dma_wait3A_289 = tpu.memref_slice %arg2[%dma_wait3A_287, %dma_wait3A_288] : memref<512x1024xf32, #tpu.memory_space<hbm>> -> memref<512x1024xf32, #tpu.memory_space<hbm>>
    tpu.wait_indirect_dma semaphore(%arg16 : memref<!tpu.dma_semaphore, #tpu.memory_space<semaphore_mem>>) src(%dma_wait3A_289 : memref<512x1024xf32, #tpu.memory_space<hbm>>) dst(%arg10 : memref<16x1024xf32, #tpu.memory_space<vmem>>)
    %add3A_290 = arith.constant 10 : i32
    %add3A_291 = arith.addi %mul3A_2, %add3A_290 : i32
    %mul3A_292 = arith.constant 16 : i32
    %mul3A_293 = arith.muli %add3A_291, %mul3A_292 : i32
    %dma_start3A_294 = arith.constant 0 : i32
    %dma_start3A_295 = tpu.memref_slice %arg4[%mul3A_293, %dma_start3A_294] : memref<8192x1024xf32, #tpu.memory_space<hbm>> -> memref<16x1024xf32, #tpu.memory_space<hbm>>
    %dma_start3A_296 = arith.constant 0 : i32
    %dma_start3A_297 = tpu.memref_slice %arg4[%mul3A_293, %dma_start3A_296] : memref<8192x1024xf32, #tpu.memory_space<hbm>> -> memref<16x1024xf32, #tpu.memory_space<hbm>>
    tpu.enqueue_dma source(%arg10 : memref<16x1024xf32, #tpu.memory_space<vmem>>) target(%dma_start3A_297 : memref<16x1024xf32, #tpu.memory_space<hbm>>) target_semaphore(%arg22 : memref<!tpu.dma_semaphore, #tpu.memory_space<semaphore_mem>>)
    %dma_wait3A_298 = arith.constant 0 : i32
    %dma_wait3A_299 = tpu.memref_slice %arg4[%mul3A_241, %dma_wait3A_298] : memref<8192x1024xf32, #tpu.memory_space<hbm>> -> memref<16x1024xf32, #tpu.memory_space<hbm>>
    %dma_wait3A_300 = arith.constant 0 : i32
    %dma_wait3A_301 = tpu.memref_slice %arg4[%mul3A_241, %dma_wait3A_300] : memref<8192x1024xf32, #tpu.memory_space<hbm>> -> memref<16x1024xf32, #tpu.memory_space<hbm>>
    tpu.wait_dma2 semaphore(%arg20 : memref<!tpu.dma_semaphore, #tpu.memory_space<semaphore_mem>>) src(%arg8 : memref<16x1024xf32, #tpu.memory_space<vmem>>) dst(%dma_wait3A_301 : memref<16x1024xf32, #tpu.memory_space<hbm>>)
    %dma_start3A_302 = arith.constant 3 : i32
    %dma_start3A_303 = arith.constant 32 : i32
    %dma_start3A_304 = tpu.memref_slice %arg5[%dma_start3A_302, %dma_start3A_303] : memref<4x64xi32, #tpu.memory_space<vmem>> -> memref<1x16xi32, #tpu.memory_space<vmem>>
    %dma_start3A_305 = tpu.memref_squeeze %dma_start3A_304 : memref<1x16xi32, #tpu.memory_space<vmem>> -> memref<16xi32, #tpu.memory_space<vmem>>
    %dma_start3A_306 = arith.constant 0 : i32
    %dma_start3A_307 = arith.constant 0 : i32
    %dma_start3A_308 = tpu.memref_slice %arg2[%dma_start3A_306, %dma_start3A_307] : memref<512x1024xf32, #tpu.memory_space<hbm>> -> memref<512x1024xf32, #tpu.memory_space<hbm>>
    tpu.enqueue_indirect_dma source(%dma_start3A_308 : memref<512x1024xf32, #tpu.memory_space<hbm>>) target(%arg8 : memref<16x1024xf32, #tpu.memory_space<vmem>>) offsets(%dma_start3A_305 : memref<16xi32, #tpu.memory_space<vmem>>) semaphore(%arg14 : memref<!tpu.dma_semaphore, #tpu.memory_space<semaphore_mem>>)
    %dma_wait3A_309 = arith.constant 2 : i32
    %dma_wait3A_310 = arith.constant 48 : i32
    %dma_wait3A_311 = tpu.memref_slice %arg5[%dma_wait3A_309, %dma_wait3A_310] : memref<4x64xi32, #tpu.memory_space<vmem>> -> memref<1x16xi32, #tpu.memory_space<vmem>>
    %dma_wait3A_312 = tpu.memref_squeeze %dma_wait3A_311 : memref<1x16xi32, #tpu.memory_space<vmem>> -> memref<16xi32, #tpu.memory_space<vmem>>
    %dma_wait3A_313 = arith.constant 0 : i32
    %dma_wait3A_314 = arith.constant 0 : i32
    %dma_wait3A_315 = tpu.memref_slice %arg2[%dma_wait3A_313, %dma_wait3A_314] : memref<512x1024xf32, #tpu.memory_space<hbm>> -> memref<512x1024xf32, #tpu.memory_space<hbm>>
    tpu.wait_indirect_dma semaphore(%arg17 : memref<!tpu.dma_semaphore, #tpu.memory_space<semaphore_mem>>) src(%dma_wait3A_315 : memref<512x1024xf32, #tpu.memory_space<hbm>>) dst(%arg11 : memref<16x1024xf32, #tpu.memory_space<vmem>>)
    %add3A_316 = arith.constant 11 : i32
    %add3A_317 = arith.addi %mul3A_2, %add3A_316 : i32
    %mul3A_318 = arith.constant 16 : i32
    %mul3A_319 = arith.muli %add3A_317, %mul3A_318 : i32
    %dma_start3A_320 = arith.constant 0 : i32
    %dma_start3A_321 = tpu.memref_slice %arg4[%mul3A_319, %dma_start3A_320] : memref<8192x1024xf32, #tpu.memory_space<hbm>> -> memref<16x1024xf32, #tpu.memory_space<hbm>>
    %dma_start3A_322 = arith.constant 0 : i32
    %dma_start3A_323 = tpu.memref_slice %arg4[%mul3A_319, %dma_start3A_322] : memref<8192x1024xf32, #tpu.memory_space<hbm>> -> memref<16x1024xf32, #tpu.memory_space<hbm>>
    tpu.enqueue_dma source(%arg11 : memref<16x1024xf32, #tpu.memory_space<vmem>>) target(%dma_start3A_323 : memref<16x1024xf32, #tpu.memory_space<hbm>>) target_semaphore(%arg23 : memref<!tpu.dma_semaphore, #tpu.memory_space<semaphore_mem>>)
    %dma_wait3A_324 = arith.constant 0 : i32
    %dma_wait3A_325 = tpu.memref_slice %arg4[%mul3A_267, %dma_wait3A_324] : memref<8192x1024xf32, #tpu.memory_space<hbm>> -> memref<16x1024xf32, #tpu.memory_space<hbm>>
    %dma_wait3A_326 = arith.constant 0 : i32
    %dma_wait3A_327 = tpu.memref_slice %arg4[%mul3A_267, %dma_wait3A_326] : memref<8192x1024xf32, #tpu.memory_space<hbm>> -> memref<16x1024xf32, #tpu.memory_space<hbm>>
    tpu.wait_dma2 semaphore(%arg21 : memref<!tpu.dma_semaphore, #tpu.memory_space<semaphore_mem>>) src(%arg9 : memref<16x1024xf32, #tpu.memory_space<vmem>>) dst(%dma_wait3A_327 : memref<16x1024xf32, #tpu.memory_space<hbm>>)
    %dma_start3A_328 = arith.constant 3 : i32
    %dma_start3A_329 = arith.constant 48 : i32
    %dma_start3A_330 = tpu.memref_slice %arg5[%dma_start3A_328, %dma_start3A_329] : memref<4x64xi32, #tpu.memory_space<vmem>> -> memref<1x16xi32, #tpu.memory_space<vmem>>
    %dma_start3A_331 = tpu.memref_squeeze %dma_start3A_330 : memref<1x16xi32, #tpu.memory_space<vmem>> -> memref<16xi32, #tpu.memory_space<vmem>>
    %dma_start3A_332 = arith.constant 0 : i32
    %dma_start3A_333 = arith.constant 0 : i32
    %dma_start3A_334 = tpu.memref_slice %arg2[%dma_start3A_332, %dma_start3A_333] : memref<512x1024xf32, #tpu.memory_space<hbm>> -> memref<512x1024xf32, #tpu.memory_space<hbm>>
    tpu.enqueue_indirect_dma source(%dma_start3A_334 : memref<512x1024xf32, #tpu.memory_space<hbm>>) target(%arg9 : memref<16x1024xf32, #tpu.memory_space<vmem>>) offsets(%dma_start3A_331 : memref<16xi32, #tpu.memory_space<vmem>>) semaphore(%arg15 : memref<!tpu.dma_semaphore, #tpu.memory_space<semaphore_mem>>)
    %dma_wait3A_335 = arith.constant 3 : i32
    %dma_wait3A_336 = arith.constant 0 : i32
    %dma_wait3A_337 = tpu.memref_slice %arg5[%dma_wait3A_335, %dma_wait3A_336] : memref<4x64xi32, #tpu.memory_space<vmem>> -> memref<1x16xi32, #tpu.memory_space<vmem>>
    %dma_wait3A_338 = tpu.memref_squeeze %dma_wait3A_337 : memref<1x16xi32, #tpu.memory_space<vmem>> -> memref<16xi32, #tpu.memory_space<vmem>>
    %dma_wait3A_339 = arith.constant 0 : i32
    %dma_wait3A_340 = arith.constant 0 : i32
    %dma_wait3A_341 = tpu.memref_slice %arg2[%dma_wait3A_339, %dma_wait3A_340] : memref<512x1024xf32, #tpu.memory_space<hbm>> -> memref<512x1024xf32, #tpu.memory_space<hbm>>
    tpu.wait_indirect_dma semaphore(%arg12 : memref<!tpu.dma_semaphore, #tpu.memory_space<semaphore_mem>>) src(%dma_wait3A_341 : memref<512x1024xf32, #tpu.memory_space<hbm>>) dst(%arg6 : memref<16x1024xf32, #tpu.memory_space<vmem>>)
    %add3A_342 = arith.constant 12 : i32
    %add3A_343 = arith.addi %mul3A_2, %add3A_342 : i32
    %mul3A_344 = arith.constant 16 : i32
    %mul3A_345 = arith.muli %add3A_343, %mul3A_344 : i32
    %dma_start3A_346 = arith.constant 0 : i32
    %dma_start3A_347 = tpu.memref_slice %arg4[%mul3A_345, %dma_start3A_346] : memref<8192x1024xf32, #tpu.memory_space<hbm>> -> memref<16x1024xf32, #tpu.memory_space<hbm>>
    %dma_start3A_348 = arith.constant 0 : i32
    %dma_start3A_349 = tpu.memref_slice %arg4[%mul3A_345, %dma_start3A_348] : memref<8192x1024xf32, #tpu.memory_space<hbm>> -> memref<16x1024xf32, #tpu.memory_space<hbm>>
    tpu.enqueue_dma source(%arg6 : memref<16x1024xf32, #tpu.memory_space<vmem>>) target(%dma_start3A_349 : memref<16x1024xf32, #tpu.memory_space<hbm>>) target_semaphore(%arg18 : memref<!tpu.dma_semaphore, #tpu.memory_space<semaphore_mem>>)
    %dma_wait3A_350 = arith.constant 3 : i32
    %dma_wait3A_351 = arith.constant 16 : i32
    %dma_wait3A_352 = tpu.memref_slice %arg5[%dma_wait3A_350, %dma_wait3A_351] : memref<4x64xi32, #tpu.memory_space<vmem>> -> memref<1x16xi32, #tpu.memory_space<vmem>>
    %dma_wait3A_353 = tpu.memref_squeeze %dma_wait3A_352 : memref<1x16xi32, #tpu.memory_space<vmem>> -> memref<16xi32, #tpu.memory_space<vmem>>
    %dma_wait3A_354 = arith.constant 0 : i32
    %dma_wait3A_355 = arith.constant 0 : i32
    %dma_wait3A_356 = tpu.memref_slice %arg2[%dma_wait3A_354, %dma_wait3A_355] : memref<512x1024xf32, #tpu.memory_space<hbm>> -> memref<512x1024xf32, #tpu.memory_space<hbm>>
    tpu.wait_indirect_dma semaphore(%arg13 : memref<!tpu.dma_semaphore, #tpu.memory_space<semaphore_mem>>) src(%dma_wait3A_356 : memref<512x1024xf32, #tpu.memory_space<hbm>>) dst(%arg7 : memref<16x1024xf32, #tpu.memory_space<vmem>>)
    %add3A_357 = arith.constant 13 : i32
    %add3A_358 = arith.addi %mul3A_2, %add3A_357 : i32
    %mul3A_359 = arith.constant 16 : i32
    %mul3A_360 = arith.muli %add3A_358, %mul3A_359 : i32
    %dma_start3A_361 = arith.constant 0 : i32
    %dma_start3A_362 = tpu.memref_slice %arg4[%mul3A_360, %dma_start3A_361] : memref<8192x1024xf32, #tpu.memory_space<hbm>> -> memref<16x1024xf32, #tpu.memory_space<hbm>>
    %dma_start3A_363 = arith.constant 0 : i32
    %dma_start3A_364 = tpu.memref_slice %arg4[%mul3A_360, %dma_start3A_363] : memref<8192x1024xf32, #tpu.memory_space<hbm>> -> memref<16x1024xf32, #tpu.memory_space<hbm>>
    tpu.enqueue_dma source(%arg7 : memref<16x1024xf32, #tpu.memory_space<vmem>>) target(%dma_start3A_364 : memref<16x1024xf32, #tpu.memory_space<hbm>>) target_semaphore(%arg19 : memref<!tpu.dma_semaphore, #tpu.memory_space<semaphore_mem>>)
    %dma_wait3A_365 = arith.constant 3 : i32
    %dma_wait3A_366 = arith.constant 32 : i32
    %dma_wait3A_367 = tpu.memref_slice %arg5[%dma_wait3A_365, %dma_wait3A_366] : memref<4x64xi32, #tpu.memory_space<vmem>> -> memref<1x16xi32, #tpu.memory_space<vmem>>
    %dma_wait3A_368 = tpu.memref_squeeze %dma_wait3A_367 : memref<1x16xi32, #tpu.memory_space<vmem>> -> memref<16xi32, #tpu.memory_space<vmem>>
    %dma_wait3A_369 = arith.constant 0 : i32
    %dma_wait3A_370 = arith.constant 0 : i32
    %dma_wait3A_371 = tpu.memref_slice %arg2[%dma_wait3A_369, %dma_wait3A_370] : memref<512x1024xf32, #tpu.memory_space<hbm>> -> memref<512x1024xf32, #tpu.memory_space<hbm>>
    tpu.wait_indirect_dma semaphore(%arg14 : memref<!tpu.dma_semaphore, #tpu.memory_space<semaphore_mem>>) src(%dma_wait3A_371 : memref<512x1024xf32, #tpu.memory_space<hbm>>) dst(%arg8 : memref<16x1024xf32, #tpu.memory_space<vmem>>)
    %add3A_372 = arith.constant 14 : i32
    %add3A_373 = arith.addi %mul3A_2, %add3A_372 : i32
    %mul3A_374 = arith.constant 16 : i32
    %mul3A_375 = arith.muli %add3A_373, %mul3A_374 : i32
    %dma_start3A_376 = arith.constant 0 : i32
    %dma_start3A_377 = tpu.memref_slice %arg4[%mul3A_375, %dma_start3A_376] : memref<8192x1024xf32, #tpu.memory_space<hbm>> -> memref<16x1024xf32, #tpu.memory_space<hbm>>
    %dma_start3A_378 = arith.constant 0 : i32
    %dma_start3A_379 = tpu.memref_slice %arg4[%mul3A_375, %dma_start3A_378] : memref<8192x1024xf32, #tpu.memory_space<hbm>> -> memref<16x1024xf32, #tpu.memory_space<hbm>>
    tpu.enqueue_dma source(%arg8 : memref<16x1024xf32, #tpu.memory_space<vmem>>) target(%dma_start3A_379 : memref<16x1024xf32, #tpu.memory_space<hbm>>) target_semaphore(%arg20 : memref<!tpu.dma_semaphore, #tpu.memory_space<semaphore_mem>>)
    %dma_wait3A_380 = arith.constant 3 : i32
    %dma_wait3A_381 = arith.constant 48 : i32
    %dma_wait3A_382 = tpu.memref_slice %arg5[%dma_wait3A_380, %dma_wait3A_381] : memref<4x64xi32, #tpu.memory_space<vmem>> -> memref<1x16xi32, #tpu.memory_space<vmem>>
    %dma_wait3A_383 = tpu.memref_squeeze %dma_wait3A_382 : memref<1x16xi32, #tpu.memory_space<vmem>> -> memref<16xi32, #tpu.memory_space<vmem>>
    %dma_wait3A_384 = arith.constant 0 : i32
    %dma_wait3A_385 = arith.constant 0 : i32
    %dma_wait3A_386 = tpu.memref_slice %arg2[%dma_wait3A_384, %dma_wait3A_385] : memref<512x1024xf32, #tpu.memory_space<hbm>> -> memref<512x1024xf32, #tpu.memory_space<hbm>>
    tpu.wait_indirect_dma semaphore(%arg15 : memref<!tpu.dma_semaphore, #tpu.memory_space<semaphore_mem>>) src(%dma_wait3A_386 : memref<512x1024xf32, #tpu.memory_space<hbm>>) dst(%arg9 : memref<16x1024xf32, #tpu.memory_space<vmem>>)
    %add3A_387 = arith.constant 15 : i32
    %add3A_388 = arith.addi %mul3A_2, %add3A_387 : i32
    %mul3A_389 = arith.constant 16 : i32
    %mul3A_390 = arith.muli %add3A_388, %mul3A_389 : i32
    %dma_start3A_391 = arith.constant 0 : i32
    %dma_start3A_392 = tpu.memref_slice %arg4[%mul3A_390, %dma_start3A_391] : memref<8192x1024xf32, #tpu.memory_space<hbm>> -> memref<16x1024xf32, #tpu.memory_space<hbm>>
    %dma_start3A_393 = arith.constant 0 : i32
    %dma_start3A_394 = tpu.memref_slice %arg4[%mul3A_390, %dma_start3A_393] : memref<8192x1024xf32, #tpu.memory_space<hbm>> -> memref<16x1024xf32, #tpu.memory_space<hbm>>
    tpu.enqueue_dma source(%arg9 : memref<16x1024xf32, #tpu.memory_space<vmem>>) target(%dma_start3A_394 : memref<16x1024xf32, #tpu.memory_space<hbm>>) target_semaphore(%arg21 : memref<!tpu.dma_semaphore, #tpu.memory_space<semaphore_mem>>)
    %dma_wait3A_395 = arith.constant 0 : i32
    %dma_wait3A_396 = tpu.memref_slice %arg4[%mul3A_293, %dma_wait3A_395] : memref<8192x1024xf32, #tpu.memory_space<hbm>> -> memref<16x1024xf32, #tpu.memory_space<hbm>>
    %dma_wait3A_397 = arith.constant 0 : i32
    %dma_wait3A_398 = tpu.memref_slice %arg4[%mul3A_293, %dma_wait3A_397] : memref<8192x1024xf32, #tpu.memory_space<hbm>> -> memref<16x1024xf32, #tpu.memory_space<hbm>>
    tpu.wait_dma2 semaphore(%arg22 : memref<!tpu.dma_semaphore, #tpu.memory_space<semaphore_mem>>) src(%arg10 : memref<16x1024xf32, #tpu.memory_space<vmem>>) dst(%dma_wait3A_398 : memref<16x1024xf32, #tpu.memory_space<hbm>>)
    %dma_wait3A_399 = arith.constant 0 : i32
    %dma_wait3A_400 = tpu.memref_slice %arg4[%mul3A_319, %dma_wait3A_399] : memref<8192x1024xf32, #tpu.memory_space<hbm>> -> memref<16x1024xf32, #tpu.memory_space<hbm>>
    %dma_wait3A_401 = arith.constant 0 : i32
    %dma_wait3A_402 = tpu.memref_slice %arg4[%mul3A_319, %dma_wait3A_401] : memref<8192x1024xf32, #tpu.memory_space<hbm>> -> memref<16x1024xf32, #tpu.memory_space<hbm>>
    tpu.wait_dma2 semaphore(%arg23 : memref<!tpu.dma_semaphore, #tpu.memory_space<semaphore_mem>>) src(%arg11 : memref<16x1024xf32, #tpu.memory_space<vmem>>) dst(%dma_wait3A_402 : memref<16x1024xf32, #tpu.memory_space<hbm>>)
    %dma_wait3A_403 = arith.constant 0 : i32
    %dma_wait3A_404 = tpu.memref_slice %arg4[%mul3A_345, %dma_wait3A_403] : memref<8192x1024xf32, #tpu.memory_space<hbm>> -> memref<16x1024xf32, #tpu.memory_space<hbm>>
    %dma_wait3A_405 = arith.constant 0 : i32
    %dma_wait3A_406 = tpu.memref_slice %arg4[%mul3A_345, %dma_wait3A_405] : memref<8192x1024xf32, #tpu.memory_space<hbm>> -> memref<16x1024xf32, #tpu.memory_space<hbm>>
    tpu.wait_dma2 semaphore(%arg18 : memref<!tpu.dma_semaphore, #tpu.memory_space<semaphore_mem>>) src(%arg6 : memref<16x1024xf32, #tpu.memory_space<vmem>>) dst(%dma_wait3A_406 : memref<16x1024xf32, #tpu.memory_space<hbm>>)
    %dma_wait3A_407 = arith.constant 0 : i32
    %dma_wait3A_408 = tpu.memref_slice %arg4[%mul3A_360, %dma_wait3A_407] : memref<8192x1024xf32, #tpu.memory_space<hbm>> -> memref<16x1024xf32, #tpu.memory_space<hbm>>
    %dma_wait3A_409 = arith.constant 0 : i32
    %dma_wait3A_410 = tpu.memref_slice %arg4[%mul3A_360, %dma_wait3A_409] : memref<8192x1024xf32, #tpu.memory_space<hbm>> -> memref<16x1024xf32, #tpu.memory_space<hbm>>
    tpu.wait_dma2 semaphore(%arg19 : memref<!tpu.dma_semaphore, #tpu.memory_space<semaphore_mem>>) src(%arg7 : memref<16x1024xf32, #tpu.memory_space<vmem>>) dst(%dma_wait3A_410 : memref<16x1024xf32, #tpu.memory_space<hbm>>)
    %dma_wait3A_411 = arith.constant 0 : i32
    %dma_wait3A_412 = tpu.memref_slice %arg4[%mul3A_375, %dma_wait3A_411] : memref<8192x1024xf32, #tpu.memory_space<hbm>> -> memref<16x1024xf32, #tpu.memory_space<hbm>>
    %dma_wait3A_413 = arith.constant 0 : i32
    %dma_wait3A_414 = tpu.memref_slice %arg4[%mul3A_375, %dma_wait3A_413] : memref<8192x1024xf32, #tpu.memory_space<hbm>> -> memref<16x1024xf32, #tpu.memory_space<hbm>>
    tpu.wait_dma2 semaphore(%arg20 : memref<!tpu.dma_semaphore, #tpu.memory_space<semaphore_mem>>) src(%arg8 : memref<16x1024xf32, #tpu.memory_space<vmem>>) dst(%dma_wait3A_414 : memref<16x1024xf32, #tpu.memory_space<hbm>>)
    %dma_wait3A_415 = arith.constant 0 : i32
    %dma_wait3A_416 = tpu.memref_slice %arg4[%mul3A_390, %dma_wait3A_415] : memref<8192x1024xf32, #tpu.memory_space<hbm>> -> memref<16x1024xf32, #tpu.memory_space<hbm>>
    %dma_wait3A_417 = arith.constant 0 : i32
    %dma_wait3A_418 = tpu.memref_slice %arg4[%mul3A_390, %dma_wait3A_417] : memref<8192x1024xf32, #tpu.memory_space<hbm>> -> memref<16x1024xf32, #tpu.memory_space<hbm>>
    tpu.wait_dma2 semaphore(%arg21 : memref<!tpu.dma_semaphore, #tpu.memory_space<semaphore_mem>>) src(%arg9 : memref<16x1024xf32, #tpu.memory_space<vmem>>) dst(%dma_wait3A_418 : memref<16x1024xf32, #tpu.memory_space<hbm>>)
    return
  }
}

module attributes {stable_mosaic.version = 14 : i64} {
  func.func @_match_topk_body(%arg0: memref<128x1024xf32, #tpu.memory_space<vmem>>, %arg1: memref<64x1024xf32, #tpu.memory_space<vmem>>, %arg2: memref<128x8xf32, #tpu.memory_space<vmem>>, %arg3: memref<128x64xi32, #tpu.memory_space<vmem>>) attributes {dimension_semantics = [], scalar_prefetch = 0 : i64, scratch_operands = 0 : i64, tpu.core_type = #tpu.core_type<tc>} {
    %get3A = arith.constant 0 : index
    %get3A_0 = arith.constant 0 : index
    %get3A_1 = vector.load %arg0[%get3A, %get3A_0] : memref<128x1024xf32, #tpu.memory_space<vmem>>, vector<128x1024xf32>
    %get3A_2 = arith.constant 0 : index
    %get3A_3 = arith.constant 0 : index
    %get3A_4 = vector.load %arg1[%get3A_2, %get3A_3] : memref<64x1024xf32, #tpu.memory_space<vmem>>, vector<64x1024xf32>
    %mul3A = arith.mulf %get3A_1, %get3A_1 : vector<128x1024xf32>
    %reduce_sum3A = arith.constant dense<0.000000e+00> : vector<128xf32>
    %reduce_sum3A_5 = vector.multi_reduction <add>, %mul3A, %reduce_sum3A [1] : vector<128x1024xf32> to vector<128xf32>
    %broadcast_in_dim3A = vector.shape_cast %reduce_sum3A_5 : vector<128xf32> to vector<128x1xf32>
    %sqrt3A = math.sqrt %broadcast_in_dim3A : vector<128x1xf32>
    %max3A = arith.constant 9.99999993E-9 : f32
    %max3A_6 = vector.broadcast %max3A : f32 to vector<128x1xf32>
    %max3A_7 = arith.maximumf %sqrt3A, %max3A_6 : vector<128x1xf32>
    %broadcast_in_dim3A_8 = arith.constant 1.000000e+00 : f32
    %broadcast_in_dim3A_9 = vector.broadcast %broadcast_in_dim3A_8 : f32 to vector<1x1024xf32>
    %mul3A_10 = arith.mulf %get3A_4, %get3A_4 : vector<64x1024xf32>
    %dot_general3A = arith.constant dense<0.000000e+00> : vector<1x64xf32>
    %dot_general3A_11 = tpu.matmul %broadcast_in_dim3A_9, %mul3A_10, %dot_general3A {dimension_numbers = #tpu.dot_dimension_numbers<[1], [1], [0], [0], [0, 0, 1, 0], [], []>, precision = #tpu.contract_precision<fp32>, transpose_lhs_hint = false} : vector<1x1024xf32>, vector<64x1024xf32>, vector<1x64xf32> -> vector<1x64xf32>
    %sqrt3A_12 = math.sqrt %dot_general3A_11 : vector<1x64xf32>
    %max3A_13 = arith.constant 9.99999993E-9 : f32
    %max3A_14 = vector.broadcast %max3A_13 : f32 to vector<1x64xf32>
    %max3A_15 = arith.maximumf %sqrt3A_12, %max3A_14 : vector<1x64xf32>
    %convert_element_type3A = arith.truncf %get3A_1 : vector<128x1024xf32> to vector<128x1024xbf16>
    %convert_element_type3A_16 = arith.truncf %get3A_4 : vector<64x1024xf32> to vector<64x1024xbf16>
    %dot_general3A_17 = arith.constant dense<0.000000e+00> : vector<128x64xf32>
    %dot_general3A_18 = tpu.matmul %convert_element_type3A, %convert_element_type3A_16, %dot_general3A_17 {dimension_numbers = #tpu.dot_dimension_numbers<[1], [1], [0], [0], [0, 0, 1, 0], [], []>, transpose_lhs_hint = false} : vector<128x1024xbf16>, vector<64x1024xbf16>, vector<128x64xf32> -> vector<128x64xf32>
    %mul3A_19 = vector.broadcast %max3A_7 : vector<128x1xf32> to vector<128x64xf32>
    %mul3A_20 = vector.broadcast %max3A_15 : vector<1x64xf32> to vector<128x64xf32>
    %mul3A_21 = arith.mulf %mul3A_19, %mul3A_20 : vector<128x64xf32>
    %div3A = arith.divf %dot_general3A_18, %mul3A_21 : vector<128x64xf32>
    %sub3A = arith.constant 1.000000e+00 : f32
    %sub3A_22 = vector.broadcast %sub3A : f32 to vector<128x64xf32>
    %sub3A_23 = arith.subf %sub3A_22, %div3A : vector<128x64xf32>
    %iota3A = tpu.iota {dimensions = array<i32: 1>} : vector<128x64xi32>
    %iota3A_24 = tpu.iota {dimensions = array<i32: 1>} : vector<128x8xi32>
    %reduce_min3A = arith.constant dense<0x7F800000> : vector<128xf32>
    %reduce_min3A_25 = vector.multi_reduction <minimumf>, %sub3A_23, %reduce_min3A [1] : vector<128x64xf32> to vector<128xf32>
    %broadcast_in_dim3A_26 = vector.shape_cast %reduce_min3A_25 : vector<128xf32> to vector<128x1xf32>
    %eq3A = vector.broadcast %broadcast_in_dim3A_26 : vector<128x1xf32> to vector<128x64xf32>
    %eq3A_27 = arith.cmpf oeq, %sub3A_23, %eq3A : vector<128x64xf32>
    %jit3A = arith.constant 64 : i32
    %broadcast_in_dim3A_28 = vector.broadcast %jit3A : i32 to vector<128x64xi32>
    %select_n3A = arith.select %eq3A_27, %iota3A, %broadcast_in_dim3A_28 : vector<128x64xi1>, vector<128x64xi32>
    %reduce_min3A_29 = arith.constant dense<2147483647> : vector<128xi32>
    %reduce_min3A_30 = vector.multi_reduction <minsi>, %select_n3A, %reduce_min3A_29 [1] : vector<128x64xi32> to vector<128xi32>
    %broadcast_in_dim3A_31 = vector.shape_cast %reduce_min3A_30 : vector<128xi32> to vector<128x1xi32>
    %mul3A_32 = arith.constant 8 : i32
    %mul3A_33 = vector.broadcast %mul3A_32 : i32 to vector<128x1xi32>
    %mul3A_34 = arith.muli %broadcast_in_dim3A_31, %mul3A_33 : vector<128x1xi32>
    %add3A = vector.broadcast %mul3A_34 : vector<128x1xi32> to vector<128x8xi32>
    %add3A_35 = arith.addi %add3A, %iota3A_24 : vector<128x8xi32>
    %eq3A_36 = vector.broadcast %broadcast_in_dim3A_31 : vector<128x1xi32> to vector<128x64xi32>
    %eq3A_37 = arith.cmpi eq, %iota3A, %eq3A_36 : vector<128x64xi32>
    %jit3A_38 = arith.constant 0x7F800000 : f32
    %broadcast_in_dim3A_39 = vector.broadcast %jit3A_38 : f32 to vector<128x64xf32>
    %select_n3A_40 = arith.select %eq3A_37, %broadcast_in_dim3A_39, %sub3A_23 : vector<128x64xi1>, vector<128x64xf32>
    %reduce_min3A_41 = arith.constant dense<0x7F800000> : vector<128xf32>
    %reduce_min3A_42 = vector.multi_reduction <minimumf>, %select_n3A_40, %reduce_min3A_41 [1] : vector<128x64xf32> to vector<128xf32>
    %broadcast_in_dim3A_43 = vector.shape_cast %reduce_min3A_42 : vector<128xf32> to vector<128x1xf32>
    %eq3A_44 = vector.broadcast %broadcast_in_dim3A_43 : vector<128x1xf32> to vector<128x64xf32>
    %eq3A_45 = arith.cmpf oeq, %select_n3A_40, %eq3A_44 : vector<128x64xf32>
    %jit3A_46 = arith.constant 64 : i32
    %broadcast_in_dim3A_47 = vector.broadcast %jit3A_46 : i32 to vector<128x64xi32>
    %select_n3A_48 = arith.select %eq3A_45, %iota3A, %broadcast_in_dim3A_47 : vector<128x64xi1>, vector<128x64xi32>
    %reduce_min3A_49 = arith.constant dense<2147483647> : vector<128xi32>
    %reduce_min3A_50 = vector.multi_reduction <minsi>, %select_n3A_48, %reduce_min3A_49 [1] : vector<128x64xi32> to vector<128xi32>
    %broadcast_in_dim3A_51 = vector.shape_cast %reduce_min3A_50 : vector<128xi32> to vector<128x1xi32>
    %mul3A_52 = arith.constant 8 : i32
    %mul3A_53 = vector.broadcast %mul3A_52 : i32 to vector<128x1xi32>
    %mul3A_54 = arith.muli %broadcast_in_dim3A_51, %mul3A_53 : vector<128x1xi32>
    %add3A_55 = vector.broadcast %mul3A_54 : vector<128x1xi32> to vector<128x8xi32>
    %add3A_56 = arith.addi %add3A_55, %iota3A_24 : vector<128x8xi32>
    %eq3A_57 = vector.broadcast %broadcast_in_dim3A_51 : vector<128x1xi32> to vector<128x64xi32>
    %eq3A_58 = arith.cmpi eq, %iota3A, %eq3A_57 : vector<128x64xi32>
    %jit3A_59 = arith.constant 0x7F800000 : f32
    %broadcast_in_dim3A_60 = vector.broadcast %jit3A_59 : f32 to vector<128x64xf32>
    %select_n3A_61 = arith.select %eq3A_58, %broadcast_in_dim3A_60, %select_n3A_40 : vector<128x64xi1>, vector<128x64xf32>
    %reduce_min3A_62 = arith.constant dense<0x7F800000> : vector<128xf32>
    %reduce_min3A_63 = vector.multi_reduction <minimumf>, %select_n3A_61, %reduce_min3A_62 [1] : vector<128x64xf32> to vector<128xf32>
    %broadcast_in_dim3A_64 = vector.shape_cast %reduce_min3A_63 : vector<128xf32> to vector<128x1xf32>
    %eq3A_65 = vector.broadcast %broadcast_in_dim3A_64 : vector<128x1xf32> to vector<128x64xf32>
    %eq3A_66 = arith.cmpf oeq, %select_n3A_61, %eq3A_65 : vector<128x64xf32>
    %jit3A_67 = arith.constant 64 : i32
    %broadcast_in_dim3A_68 = vector.broadcast %jit3A_67 : i32 to vector<128x64xi32>
    %select_n3A_69 = arith.select %eq3A_66, %iota3A, %broadcast_in_dim3A_68 : vector<128x64xi1>, vector<128x64xi32>
    %reduce_min3A_70 = arith.constant dense<2147483647> : vector<128xi32>
    %reduce_min3A_71 = vector.multi_reduction <minsi>, %select_n3A_69, %reduce_min3A_70 [1] : vector<128x64xi32> to vector<128xi32>
    %broadcast_in_dim3A_72 = vector.shape_cast %reduce_min3A_71 : vector<128xi32> to vector<128x1xi32>
    %mul3A_73 = arith.constant 8 : i32
    %mul3A_74 = vector.broadcast %mul3A_73 : i32 to vector<128x1xi32>
    %mul3A_75 = arith.muli %broadcast_in_dim3A_72, %mul3A_74 : vector<128x1xi32>
    %add3A_76 = vector.broadcast %mul3A_75 : vector<128x1xi32> to vector<128x8xi32>
    %add3A_77 = arith.addi %add3A_76, %iota3A_24 : vector<128x8xi32>
    %eq3A_78 = vector.broadcast %broadcast_in_dim3A_72 : vector<128x1xi32> to vector<128x64xi32>
    %eq3A_79 = arith.cmpi eq, %iota3A, %eq3A_78 : vector<128x64xi32>
    %jit3A_80 = arith.constant 0x7F800000 : f32
    %broadcast_in_dim3A_81 = vector.broadcast %jit3A_80 : f32 to vector<128x64xf32>
    %select_n3A_82 = arith.select %eq3A_79, %broadcast_in_dim3A_81, %select_n3A_61 : vector<128x64xi1>, vector<128x64xf32>
    %reduce_min3A_83 = arith.constant dense<0x7F800000> : vector<128xf32>
    %reduce_min3A_84 = vector.multi_reduction <minimumf>, %select_n3A_82, %reduce_min3A_83 [1] : vector<128x64xf32> to vector<128xf32>
    %broadcast_in_dim3A_85 = vector.shape_cast %reduce_min3A_84 : vector<128xf32> to vector<128x1xf32>
    %eq3A_86 = vector.broadcast %broadcast_in_dim3A_85 : vector<128x1xf32> to vector<128x64xf32>
    %eq3A_87 = arith.cmpf oeq, %select_n3A_82, %eq3A_86 : vector<128x64xf32>
    %jit3A_88 = arith.constant 64 : i32
    %broadcast_in_dim3A_89 = vector.broadcast %jit3A_88 : i32 to vector<128x64xi32>
    %select_n3A_90 = arith.select %eq3A_87, %iota3A, %broadcast_in_dim3A_89 : vector<128x64xi1>, vector<128x64xi32>
    %reduce_min3A_91 = arith.constant dense<2147483647> : vector<128xi32>
    %reduce_min3A_92 = vector.multi_reduction <minsi>, %select_n3A_90, %reduce_min3A_91 [1] : vector<128x64xi32> to vector<128xi32>
    %broadcast_in_dim3A_93 = vector.shape_cast %reduce_min3A_92 : vector<128xi32> to vector<128x1xi32>
    %mul3A_94 = arith.constant 8 : i32
    %mul3A_95 = vector.broadcast %mul3A_94 : i32 to vector<128x1xi32>
    %mul3A_96 = arith.muli %broadcast_in_dim3A_93, %mul3A_95 : vector<128x1xi32>
    %add3A_97 = vector.broadcast %mul3A_96 : vector<128x1xi32> to vector<128x8xi32>
    %add3A_98 = arith.addi %add3A_97, %iota3A_24 : vector<128x8xi32>
    %eq3A_99 = vector.broadcast %broadcast_in_dim3A_93 : vector<128x1xi32> to vector<128x64xi32>
    %eq3A_100 = arith.cmpi eq, %iota3A, %eq3A_99 : vector<128x64xi32>
    %jit3A_101 = arith.constant 0x7F800000 : f32
    %broadcast_in_dim3A_102 = vector.broadcast %jit3A_101 : f32 to vector<128x64xf32>
    %select_n3A_103 = arith.select %eq3A_100, %broadcast_in_dim3A_102, %select_n3A_82 : vector<128x64xi1>, vector<128x64xf32>
    %reduce_min3A_104 = arith.constant dense<0x7F800000> : vector<128xf32>
    %reduce_min3A_105 = vector.multi_reduction <minimumf>, %select_n3A_103, %reduce_min3A_104 [1] : vector<128x64xf32> to vector<128xf32>
    %broadcast_in_dim3A_106 = vector.shape_cast %reduce_min3A_105 : vector<128xf32> to vector<128x1xf32>
    %eq3A_107 = vector.broadcast %broadcast_in_dim3A_106 : vector<128x1xf32> to vector<128x64xf32>
    %eq3A_108 = arith.cmpf oeq, %select_n3A_103, %eq3A_107 : vector<128x64xf32>
    %jit3A_109 = arith.constant 64 : i32
    %broadcast_in_dim3A_110 = vector.broadcast %jit3A_109 : i32 to vector<128x64xi32>
    %select_n3A_111 = arith.select %eq3A_108, %iota3A, %broadcast_in_dim3A_110 : vector<128x64xi1>, vector<128x64xi32>
    %reduce_min3A_112 = arith.constant dense<2147483647> : vector<128xi32>
    %reduce_min3A_113 = vector.multi_reduction <minsi>, %select_n3A_111, %reduce_min3A_112 [1] : vector<128x64xi32> to vector<128xi32>
    %broadcast_in_dim3A_114 = vector.shape_cast %reduce_min3A_113 : vector<128xi32> to vector<128x1xi32>
    %mul3A_115 = arith.constant 8 : i32
    %mul3A_116 = vector.broadcast %mul3A_115 : i32 to vector<128x1xi32>
    %mul3A_117 = arith.muli %broadcast_in_dim3A_114, %mul3A_116 : vector<128x1xi32>
    %add3A_118 = vector.broadcast %mul3A_117 : vector<128x1xi32> to vector<128x8xi32>
    %add3A_119 = arith.addi %add3A_118, %iota3A_24 : vector<128x8xi32>
    %eq3A_120 = vector.broadcast %broadcast_in_dim3A_114 : vector<128x1xi32> to vector<128x64xi32>
    %eq3A_121 = arith.cmpi eq, %iota3A, %eq3A_120 : vector<128x64xi32>
    %jit3A_122 = arith.constant 0x7F800000 : f32
    %broadcast_in_dim3A_123 = vector.broadcast %jit3A_122 : f32 to vector<128x64xf32>
    %select_n3A_124 = arith.select %eq3A_121, %broadcast_in_dim3A_123, %select_n3A_103 : vector<128x64xi1>, vector<128x64xf32>
    %reduce_min3A_125 = arith.constant dense<0x7F800000> : vector<128xf32>
    %reduce_min3A_126 = vector.multi_reduction <minimumf>, %select_n3A_124, %reduce_min3A_125 [1] : vector<128x64xf32> to vector<128xf32>
    %broadcast_in_dim3A_127 = vector.shape_cast %reduce_min3A_126 : vector<128xf32> to vector<128x1xf32>
    %eq3A_128 = vector.broadcast %broadcast_in_dim3A_127 : vector<128x1xf32> to vector<128x64xf32>
    %eq3A_129 = arith.cmpf oeq, %select_n3A_124, %eq3A_128 : vector<128x64xf32>
    %jit3A_130 = arith.constant 64 : i32
    %broadcast_in_dim3A_131 = vector.broadcast %jit3A_130 : i32 to vector<128x64xi32>
    %select_n3A_132 = arith.select %eq3A_129, %iota3A, %broadcast_in_dim3A_131 : vector<128x64xi1>, vector<128x64xi32>
    %reduce_min3A_133 = arith.constant dense<2147483647> : vector<128xi32>
    %reduce_min3A_134 = vector.multi_reduction <minsi>, %select_n3A_132, %reduce_min3A_133 [1] : vector<128x64xi32> to vector<128xi32>
    %broadcast_in_dim3A_135 = vector.shape_cast %reduce_min3A_134 : vector<128xi32> to vector<128x1xi32>
    %mul3A_136 = arith.constant 8 : i32
    %mul3A_137 = vector.broadcast %mul3A_136 : i32 to vector<128x1xi32>
    %mul3A_138 = arith.muli %broadcast_in_dim3A_135, %mul3A_137 : vector<128x1xi32>
    %add3A_139 = vector.broadcast %mul3A_138 : vector<128x1xi32> to vector<128x8xi32>
    %add3A_140 = arith.addi %add3A_139, %iota3A_24 : vector<128x8xi32>
    %eq3A_141 = vector.broadcast %broadcast_in_dim3A_135 : vector<128x1xi32> to vector<128x64xi32>
    %eq3A_142 = arith.cmpi eq, %iota3A, %eq3A_141 : vector<128x64xi32>
    %jit3A_143 = arith.constant 0x7F800000 : f32
    %broadcast_in_dim3A_144 = vector.broadcast %jit3A_143 : f32 to vector<128x64xf32>
    %select_n3A_145 = arith.select %eq3A_142, %broadcast_in_dim3A_144, %select_n3A_124 : vector<128x64xi1>, vector<128x64xf32>
    %reduce_min3A_146 = arith.constant dense<0x7F800000> : vector<128xf32>
    %reduce_min3A_147 = vector.multi_reduction <minimumf>, %select_n3A_145, %reduce_min3A_146 [1] : vector<128x64xf32> to vector<128xf32>
    %broadcast_in_dim3A_148 = vector.shape_cast %reduce_min3A_147 : vector<128xf32> to vector<128x1xf32>
    %eq3A_149 = vector.broadcast %broadcast_in_dim3A_148 : vector<128x1xf32> to vector<128x64xf32>
    %eq3A_150 = arith.cmpf oeq, %select_n3A_145, %eq3A_149 : vector<128x64xf32>
    %jit3A_151 = arith.constant 64 : i32
    %broadcast_in_dim3A_152 = vector.broadcast %jit3A_151 : i32 to vector<128x64xi32>
    %select_n3A_153 = arith.select %eq3A_150, %iota3A, %broadcast_in_dim3A_152 : vector<128x64xi1>, vector<128x64xi32>
    %reduce_min3A_154 = arith.constant dense<2147483647> : vector<128xi32>
    %reduce_min3A_155 = vector.multi_reduction <minsi>, %select_n3A_153, %reduce_min3A_154 [1] : vector<128x64xi32> to vector<128xi32>
    %broadcast_in_dim3A_156 = vector.shape_cast %reduce_min3A_155 : vector<128xi32> to vector<128x1xi32>
    %mul3A_157 = arith.constant 8 : i32
    %mul3A_158 = vector.broadcast %mul3A_157 : i32 to vector<128x1xi32>
    %mul3A_159 = arith.muli %broadcast_in_dim3A_156, %mul3A_158 : vector<128x1xi32>
    %add3A_160 = vector.broadcast %mul3A_159 : vector<128x1xi32> to vector<128x8xi32>
    %add3A_161 = arith.addi %add3A_160, %iota3A_24 : vector<128x8xi32>
    %eq3A_162 = vector.broadcast %broadcast_in_dim3A_156 : vector<128x1xi32> to vector<128x64xi32>
    %eq3A_163 = arith.cmpi eq, %iota3A, %eq3A_162 : vector<128x64xi32>
    %jit3A_164 = arith.constant 0x7F800000 : f32
    %broadcast_in_dim3A_165 = vector.broadcast %jit3A_164 : f32 to vector<128x64xf32>
    %select_n3A_166 = arith.select %eq3A_163, %broadcast_in_dim3A_165, %select_n3A_145 : vector<128x64xi1>, vector<128x64xf32>
    %reduce_min3A_167 = arith.constant dense<0x7F800000> : vector<128xf32>
    %reduce_min3A_168 = vector.multi_reduction <minimumf>, %select_n3A_166, %reduce_min3A_167 [1] : vector<128x64xf32> to vector<128xf32>
    %broadcast_in_dim3A_169 = vector.shape_cast %reduce_min3A_168 : vector<128xf32> to vector<128x1xf32>
    %eq3A_170 = vector.broadcast %broadcast_in_dim3A_169 : vector<128x1xf32> to vector<128x64xf32>
    %eq3A_171 = arith.cmpf oeq, %select_n3A_166, %eq3A_170 : vector<128x64xf32>
    %jit3A_172 = arith.constant 64 : i32
    %broadcast_in_dim3A_173 = vector.broadcast %jit3A_172 : i32 to vector<128x64xi32>
    %select_n3A_174 = arith.select %eq3A_171, %iota3A, %broadcast_in_dim3A_173 : vector<128x64xi1>, vector<128x64xi32>
    %reduce_min3A_175 = arith.constant dense<2147483647> : vector<128xi32>
    %reduce_min3A_176 = vector.multi_reduction <minsi>, %select_n3A_174, %reduce_min3A_175 [1] : vector<128x64xi32> to vector<128xi32>
    %broadcast_in_dim3A_177 = vector.shape_cast %reduce_min3A_176 : vector<128xi32> to vector<128x1xi32>
    %mul3A_178 = arith.constant 8 : i32
    %mul3A_179 = vector.broadcast %mul3A_178 : i32 to vector<128x1xi32>
    %mul3A_180 = arith.muli %broadcast_in_dim3A_177, %mul3A_179 : vector<128x1xi32>
    %add3A_181 = vector.broadcast %mul3A_180 : vector<128x1xi32> to vector<128x8xi32>
    %add3A_182 = arith.addi %add3A_181, %iota3A_24 : vector<128x8xi32>
    %concatenate3A = tpu.concatenate %broadcast_in_dim3A_26, %broadcast_in_dim3A_43, %broadcast_in_dim3A_64, %broadcast_in_dim3A_85, %broadcast_in_dim3A_106, %broadcast_in_dim3A_127, %broadcast_in_dim3A_148, %broadcast_in_dim3A_169 in 1 : vector<128x1xf32>, vector<128x1xf32>, vector<128x1xf32>, vector<128x1xf32>, vector<128x1xf32>, vector<128x1xf32>, vector<128x1xf32>, vector<128x1xf32> -> vector<128x8xf32>
    %swap3A = arith.constant 0 : index
    %swap3A_183 = arith.constant 0 : index
    %swap3A_184 = vector.load %arg2[%swap3A, %swap3A_183] : memref<128x8xf32, #tpu.memory_space<vmem>>, vector<128x8xf32>
    tpu.vector_store %arg2[%swap3A, %swap3A_183], %concatenate3A {strides = array<i32>} : memref<128x8xf32, #tpu.memory_space<vmem>>, vector<128x8xf32>,
    %concatenate3A_185 = tpu.concatenate %add3A_35, %add3A_56, %add3A_77, %add3A_98, %add3A_119, %add3A_140, %add3A_161, %add3A_182 in 1 : vector<128x8xi32>, vector<128x8xi32>, vector<128x8xi32>, vector<128x8xi32>, vector<128x8xi32>, vector<128x8xi32>, vector<128x8xi32>, vector<128x8xi32> -> vector<128x64xi32>
    %swap3A_186 = arith.constant 0 : index
    %swap3A_187 = arith.constant 0 : index
    %swap3A_188 = vector.load %arg3[%swap3A_186, %swap3A_187] : memref<128x64xi32, #tpu.memory_space<vmem>>, vector<128x64xi32>
    tpu.vector_store %arg3[%swap3A_186, %swap3A_187], %concatenate3A_185 {strides = array<i32>} : memref<128x64xi32, #tpu.memory_space<vmem>>, vector<128x64xi32>,
    return
  }
}

</mosaic_0001>

<sc_bundles>
// kernel: kernel.4.cloned.1.call-start
scs
__scs_entry_jumppad:
0x0: {  	(pc) =	sbr.rel $0x88, $3  }
0x1: {  	(tag) =	ssettag $0x0;
	lr =	simm.s32 $0x1  }
0x2: {  	[smem:$0x3F9E] =	sst lr;
	_ =	strace $0xD0000000  }
0x3: {  	_ = 	snop  }
0x4: {  	_ = 	snop  }
0x5: {  	_ = 	snop  }
0x6: {  	_ = 	snop  }
0x7: {  	_ = 	snop  }
__scs_overlays_trampoline_lowered:
0x8: {  	[smem:$0x3FAD] =	sst s0  }
0x9: {  	[smem:$0x3FAE] =	sst s1  }
0xa: {  	[smem:$0x3FAF] =	sst s2  }
0xb: {  	[smem:$0x3FB0] =	sst s3  }
0xc: {  	[smem:$0x3FB1] =	sst s4  }
0xd: {  	[smem:$0x3FB2] =	sst s5  }
0xe: {  	[smem:$0x3FB3] =	sst s6  }
0xf: {  	[smem:$0x3FB4] =	sst s7  }
0x10: {  	[smem:$0x3FB5] =	sst s8  }
0x11: {  	[smem:$0x3FB6] =	sst s9;
	s0 =	simm.s32 @!p0 $0x0  }
0x12: {  	s1 =	sld [smem:$0x3F9C];
	s0 =	simm.s32 @p0 $0x1  }
0x13: {  	[smem:$0x3FB7] =	sst s0;
	s0 =	simm.s32 @!p1 $0x0  }
0x14: {  	s2 =	sld [smem:$0x3F9B];
	s0 =	simm.s32 @p1 $0x1  }
0x15: {  	[smem:$0x3FB8] =	sst s0;
	s0 =	simm.s32 @!p2 $0x0  }
0x16: {  	s3 =	sld [smem:$0x3FDB];
	s0 =	simm.s32 @p2 $0x1  }
0x17: {  	s4 =	simm.s32 $0x1BF5;
	[smem:$0x3FBA] =	sst s0  }
0x18: {  	s0 =	sld [smem:$0x3F9D];
	_ =	swait.ge [sflag:s4], $0x0  }
0x19: {  	s7 =	sld [smem:$0x3F9E]  }
0x1a: {  	s8 =	sadd.s32 $0xFFFFE003, lr  }
0x1b: {  	s9 =	sadd.s32 $0xFFFFFEF7, lr;
	s5 =	simm.s32 $0xFFFFFFFF;
	p2 =	slt.u32 s8, $0xFFFFF086  }
0x1c: {  	p1 =	slt.u32 s9, $0xF7A;
	s5 =	simm.s32 @!p2 $0x0  }
0x1d: {  	s5 =	simm.s32 @p1 $0x1;
	p0 =	seq.s32 s7, s2  }
0x1e: {  	s7 =	smul.u32 @!p0 $0xF7A, s2;
	p2 =	seq.s32 @!p0 s5, $0x0  }
0x1f: {  	s9 =	smul.u32 $0xF7A, s1;
	s8 =	simm.s32 @!p0 $0x1BF5;
	p2 =	por !p2, p0  }
0x20: {  	[sflag:s8] =	ssyncset.s32 @!p0 $0xFFFFF086;
	s6 =	sadd.s32 @!p0 s3, s7;
	s7 =	simm.s32 @!p0 $0x108  }
0x21: {  	s3 =	sadd.s32 s3, s9;
	s6 =	sadd.s32 @!p0 $0x88, s6;
	s7 =	simm.s32 @p2 $0x1082  }
0x22: {  	[simem:s7], [sflag:s8] =	dma.local @!p0 [hbm:s6], $0xF7A  }
0x23: {  	s9 =	sor.u32 $0xD0000000, s2;
	s6 =	simm.s32 $0x108;
	_ =	swait.ge @!p0 [sflag:s8], $0x0  }
0x24: {  	s3 =	sadd.s32 $0x88, s3;
	s6 =	simm.s32 @!p1 $0x1082;
	[sflag:s4] =	ssyncset.s32 $0xFFFFF086  }
0x25: {  	[simem:s6], [sflag:s4] =	dma.local [hbm:s3], $0xF7A  }
0x26: {  	[smem:$0x3F9E] =	sst s1;
	(tag) =	ssettag s2;
	_ =	strace s9  }
0x27: {  	s1 =	sld [smem:$0x3FAE]  }
0x28: {  	s2 =	sld [smem:$0x3FAF]  }
0x29: {  	s4 =	sld [smem:$0x3FB1]  }
0x2a: {  	p0 =	seq.s32 s5, $0x0;
	s5 =	sld [smem:$0x3FB2]  }
0x2b: {  	s6 =	sld [smem:$0x3FB3]  }
0x2c: {  	s7 =	sld [smem:$0x3FB4]  }
0x2d: {  	s3 =	simm.s32 $0x108;
	s8 =	sld [smem:$0x3FB5]  }
0x2e: {  	s3 =	simm.s32 @!p0 $0x1082;
	s9 =	sld [smem:$0x3FB6]  }
0x2f: {  	lr =	sadd.s32 s0, s3;
	s0 =	sld [smem:$0x3FAD]  }
0x30: {  	s3 =	sld [smem:$0x3FB0]  }
0x31: {  	[smem:$0x3FB9] =	sst s10  }
0x32: {  	s10 =	sld [smem:$0x3FB7];
	_ =	sdelay $0x3  }
0x33: {  	p0 =	seq.s32 s10, $0x1;
	s10 =	sld [smem:$0x3FB9];
	_ =	sdelay $0x3  }
0x34: {  	[smem:$0x3FB9] =	sst s10  }
0x35: {  	s10 =	sld [smem:$0x3FB8];
	_ =	sdelay $0x3  }
0x36: {  	p1 =	seq.s32 s10, $0x1;
	s10 =	sld [smem:$0x3FB9];
	_ =	sdelay $0x3  }
0x37: {  	[smem:$0x3FB9] =	sst s10  }
0x38: {  	s10 =	sld [smem:$0x3FBA]  }
0x39: {  	_ = 	snop;
	(pc) =	sbr.ind lr, $3  }
0x3a: {  	_ = 	snop  }
0x3b: {  	_ = 	snop  }
0x3c: {  	p2 =	seq.s32 s10, $0x1;
	s10 =	sld [smem:$0x3FB9]  }
0x3d: {  	_ =	shalt  }
0x3e: {  	_ =	shalt  }
0x3f: {  	_ =	shalt  }
0x40: {  	_ =	shalt  }
0x41: {  	_ =	shalt  }
0x42: {  	_ =	shalt  }
0x43: {  	_ =	shalt  }
0x44: {  	_ =	shalt  }
0x45: {  	_ =	shalt  }
0x46: {  	_ =	shalt  }
0x47: {  	_ =	shalt  }
0x48: {  	_ =	shalt  }
0x49: {  	_ =	shalt  }
0x4a: {  	_ =	shalt  }
0x4b: {  	_ =	shalt  }
0x4c: {  	_ =	shalt  }
0x4d: {  	_ =	shalt  }
0x4e: {  	_ =	shalt  }
0x4f: {  	_ =	shalt  }
0x50: {  	_ =	shalt  }
0x51: {  	_ =	shalt  }
0x52: {  	_ =	shalt  }
0x53: {  	_ =	shalt  }
0x54: {  	_ =	shalt  }
0x55: {  	_ =	shalt  }
0x56: {  	_ =	shalt  }
0x57: {  	_ =	shalt  }
0x58: {  	_ =	shalt  }
0x59: {  	_ =	shalt  }
0x5a: {  	_ =	shalt  }
0x5b: {  	_ =	shalt  }
0x5c: {  	_ =	shalt  }
0x5d: {  	_ =	shalt  }
0x5e: {  	_ =	shalt  }
0x5f: {  	_ =	shalt  }
0x60: {  	_ =	shalt  }
0x61: {  	_ =	shalt  }
0x62: {  	_ =	shalt  }
0x63: {  	_ =	shalt  }
0x64: {  	_ =	shalt  }
0x65: {  	_ =	shalt  }
0x66: {  	_ =	shalt  }
0x67: {  	_ =	shalt  }
0x68: {  	_ =	shalt  }
0x69: {  	_ =	shalt  }
0x6a: {  	_ =	shalt  }
0x6b: {  	_ =	shalt  }
0x6c: {  	_ =	shalt  }
0x6d: {  	_ =	shalt  }
0x6e: {  	_ =	shalt  }
0x6f: {  	_ =	shalt  }
0x70: {  	_ =	shalt  }
0x71: {  	_ =	shalt  }
0x72: {  	_ =	shalt  }
0x73: {  	_ =	shalt  }
0x74: {  	_ =	shalt  }
0x75: {  	_ =	shalt  }
0x76: {  	_ =	shalt  }
0x77: {  	_ =	shalt  }
0x78: {  	_ =	shalt  }
0x79: {  	_ =	shalt  }
0x7a: {  	_ =	shalt  }
0x7b: {  	_ =	shalt  }
0x7c: {  	_ =	shalt  }
0x7d: {  	_ =	shalt  }
0x7e: {  	_ =	shalt  }
0x7f: {  	_ =	shalt  }
0x80: {  	_ =	shalt  }
0x81: {  	_ =	shalt  }
0x82: {  	_ =	shalt  }
0x83: {  	_ =	shalt  }
0x84: {  	_ =	shalt  }
0x85: {  	_ =	shalt  }
0x86: {  	_ =	shalt  }
0x87: {  	_ =	shalt  }
.Lfunc_end0:
.L_simem_size_0:
called_computation_lowered:
.L_overlay_start_0:
0x88: {  	s2 =	sld [smem:$0x3FD9]  }
0x89: {  	s3 =	sld [smem:$0x3FFE];
	_ =	sdelay $0x1  }
0x8a: {  	s1 =	srdreg.scid  }
0x8b: {  	s0 =	sand.u32 $0x1, s1  }
0x8c: {  	s14 =	sshll.u32 s0, $0xA;
	s2 =	sadd.s32 s3, s2  }
0x8d: {  	s2 =	sadd.s32 s2, s14  }
0x8e: {  	[smem:$0x3FC5] =	sst s2  }
0x8f: {  	_ = 	snop  }
0x90: {  	s2 =	sld [smem:$0x3FD0];
	_ =	sdelay $0x2  }
0x91: {  	s4 =	simm.s32 $0xA;
	s5 =	simm.s32 $0x10;
	s15 =	sld [smem:$0x3FC7]  }
0x92: {  	[smem:s5], [sflag:s4] =	dma.local [hbm:s2], $0x1  }
0x93: {  	_ =	swait.eq [sflag:s4], $0x1  }
0x94: {  	[sflag:s4] =	ssyncset.done $0x0  }
0x95: {  	[sflag:s4] =	ssyncadd.s32 $0xFFFFFFFF  }
0x96: {  	s16 =	sld [smem:$0x11];
	(tm) =	ssettm $0x1  }
0x97: {  	s17 =	sld [smem:$0x3FFB];
	_ =	sdelay $0x3  }
0x98: {  	_ =	strace s17  }
0x99: {  	s4 =	sld [smem:$0x3FFC];
	_ =	sdelay $0x3  }
0x9a: {  	_ =	strace s4  }
0x9b: {  	s4 =	sld [smem:$0x3FFD];
	_ =	sdelay $0x3  }
0x9c: {  	_ =	strace s4  }
0x9d: {  	_ =	strace $0x8FFFFFFF  }
0x9e: {  	s18 =	sld [smem:$0x3FDB];
	_ =	sdelay $0x1  }
0x9f: {  	s19 =	simm.s32 $_scs_section_size  }
0xa0: {  	s6 =	simm.s32 $_size__tile_overlayer_lowered;
	s7 =	simm.s32 $_tile_overlayer_lowered  }
0xa1: {  	s22 =	simm.s32 $0x1BFF;
	s21 =	sshll.u32 s7, $0x1;
	s4 =	sadd.s32 s19, s18  }
0xa2: {  	s8 =	simm.s32 $0x0;
	s20 =	sshll.u32 s6, $0x1;
	s6 =	sadd.s32 s21, s4  }
0xa3: {  	[timem:s8], [sflag:s22] =	dma.local [hbm:s6], s20  }
0xa4: {  	_ =	swait.ge [sflag:s22], s20  }
0xa5: {  	s5 =	ssub.s32 $0x0, s20;
	[sflag:s22] =	ssyncset.done $0x0  }
0xa6: {  	[sflag:s22] =	ssyncadd.s32 s5;
	_ =	sdelay $0x1  }
0xa7: {  	s23 =	simm.s32 $0x1B8B  }
0xa8: {  	_ =	swait.ge [sflag:s23], $0x1  }
0xa9: {  	[sflag:s23] =	ssyncset.done $0x0  }
0xaa: {  	s25 =	simm.s32 $0x1B8E;
	s24 =	sld [smem:$0x3FFE];
	[sflag:s23] =	ssyncadd.s32 $0xFFFFFFFF  }
0xab: {  	s26 =	simm.s32 $execute0_lowered;
	[smem:$0x3FD2] =	sst s25  }
0xac: {  	s6 =	sshll.u32 s26, $0x1;
	_ =	strace $0x80000046;
	[dreg:$0x1] =	wrdreg $0xFFFFFFFF  }
0xad: {  	s28 =	simm.s32 $_size_execute0_lowered;
	s4 =	sadd.s32 s4, s6;
	[dreg:$0x0] =	wrdreg $0x0  }
0xae: {  	s6 =	sshll.u32 s28, $0x1;
	[dreg:$0x2] =	wrdreg s4  }
0xaf: {  	[dreg:$0x3] =	wrdreg s6  }
0xb0: {  	[dreg:$0x4] =	wrdreg $0xC0  }
0xb1: {  	_ =	task [dreg:s8], $0x5FFFF  }
0xb2: {  	[dreg:$0x1] =	wrdreg $0xFFFFFFFF  }
0xb3: {  	[dreg:$0x0] =	wrdreg $0x60  }
0xb4: {  	[dreg:$0x2] =	wrdreg s15  }
0xb5: {  	[dreg:$0x3] =	wrdreg s24  }
0xb6: {  	[dreg:$0x4] =	wrdreg s16  }
0xb7: {  	[dreg:$0x5] =	wrdreg $0x9  }
0xb8: {  	_ =	task.clear_ibuf [dreg:s8], $0x6FFFF;
	_ =	strace $0x90000046  }
0xb9: {  	s29 =	simm.s32 $0x9;
	_ =	strace $0x80000048  }
0xba: {  	_ =	swait.ge [sflag:s29], $0x1  }
0xbb: {  	[sflag:s29] =	ssyncadd.s32 $0xFFFFFFFF  }
0xbc: {  	_ =	strace $0x90000048  }
0xbd: {  	_ =	sfence  }
0xbe: {  	s30 =	sld [smem:$0x0];
	_ =	sdelay $0x2  }
0xbf: {  	s31 =	sshll.u32 s1, $0xD;
	s1 =	sshrl.u32 s1, $0x2  }
0xc0: {  	s3 =	sand.u32 $0x4000, s31;
	s1 =	sadd.s32 s1, s30  }
0xc1: {  	s0 =	sor.u32 s3, s0;
	s1 =	sshll.u32 s1, $0x11  }
0xc2: {  	s0 =	sor.u32 s1, s0  }
0xc3: {  	s0 =	sadd.s32 $0x8F2B, s0  }
0xc4: {  	[sflag:s0] =	ssyncadd.remote.s32 $0x1  }
0xc5: {  	_ =	sfence.sel $0xFFFF  }
0xc6: {  	[dreg:$0x0] =	wrdreg $0xFFFFFFFF;
	(pc) =	sbr.abs _section_cstart, $3  }
0xc7: {  	[dreg:$0x1] =	wrdreg $0xFFFFFFFF  }
0xc8: {  	_ =	task.clear_ibuf [dreg:s8], $0x2FFFF;
	_ =	strace $0x9FFFFFFF  }
0xc9: {  	(tm) =	ssettm $0x7FFFFFFF  }
tec
execute0_lowered:
.L_overlay_start_1:
0x0: {  	(tag) =	ssettag $0x1  }
0x1: {  	s1 =	rddreg [dreg:$0x0]  }
0x2: {  	s0 =	rddreg [dreg:$0x1]  }
0x3: {  	s2 =	srdreg.scid;
	s6 =	stileid.u32  }
0x4: {  	s4 =	rddreg [dreg:$0x2];
	s2 =	sand.u32 $0x1, s2;
	s9 =	sshll.u32 s6, $0x7  }
0x5: {  	s6 =	sshll.u32 s6, $0x10;
	s5 =	sshll.u32 s2, $0x6;
	s7 =	sshll.u32 s2, $0xF  }
0x6: {  	s3 =	simm.s32 $0x0;
	s0 =	sadd.s32 s5, s0;
	s10 =	sor.u32 s7, s6  }
0x7: {  	[smem:$0x7FF] =	sst s3;
	s0 =	sadd.s32 s9, s0;
	s8 =	sadd.s32 s4, s10  }
0x8: {  	_ =	strace $0x80000047;
	s0 =	sadd.s32 $0xC00, s0;
	[dreg:$0x14] =	wrdreg s8  }
0x9: {  	s11 =	sadd.s32 $0x800, s8;
	[dreg:$0x4] =	wrdreg s0  }
0xa: {  	s12 =	sadd.s32 $0x1000, s8;
	[dreg:$0x5] =	wrdreg s11  }
0xb: {  	s13 =	sadd.s32 $0x1800, s8;
	[dreg:$0x6] =	wrdreg s12  }
0xc: {  	s31 =	simm.s32 $0x1;
	s14 =	sadd.s32 $0x2000, s8;
	[dreg:$0x7] =	wrdreg s13  }
0xd: {  	s28 =	simm.s32 $0x8;
	s15 =	sadd.s32 $0x2800, s8;
	[dreg:$0x8] =	wrdreg s14  }
0xe: {  	s30 =	simm.s32 $0x9;
	s16 =	sadd.s32 $0x3000, s8;
	[dreg:$0x9] =	wrdreg s15  }
0xf: {  	s29 =	simm.s32 $0x8200;
	s17 =	sadd.s32 $0x3800, s8;
	[dreg:$0xa] =	wrdreg s16  }
0x10: {  	s2 =	ssub.s32 $0x2, s2;
	s18 =	sadd.s32 $0x4000, s8;
	[dreg:$0xb] =	wrdreg s17  }
0x11: {  	s21 =	sshrl.u32 s2, $0x1;
	s19 =	sadd.s32 $0x4800, s8;
	[dreg:$0xc] =	wrdreg s18  }
0x12: {  	s5 =	sadd.s32 $0x100, s1;
	s20 =	sadd.s32 $0x5000, s8;
	[dreg:$0xd] =	wrdreg s19  }
0x13: {  	s6 =	sadd.s32 $0x200, s1;
	s22 =	sadd.s32 $0x5800, s8;
	[dreg:$0xe] =	wrdreg s20  }
0x14: {  	s7 =	sadd.s32 $0x300, s1;
	s23 =	sadd.s32 $0x6000, s8;
	[dreg:$0xf] =	wrdreg s22  }
0x15: {  	s2 =	ssub.s32 s2, s21;
	s24 =	sadd.s32 $0x6800, s8;
	[dreg:$0x10] =	wrdreg s23  }
0x16: {  	s9 =	simm.s32 $0xC200;
	s25 =	sadd.s32 $0x7000, s8;
	[dreg:$0x11] =	wrdreg s24  }
0x17: {  	s26 =	sadd.s32 $0x7800, s8;
	s8 =	smax.u32 s2, $0x1;
	[dreg:$0x12] =	wrdreg s25  }
0x18: {  	[dreg:$0x13] =	wrdreg s26;
	s22 =	simm.s32 $0x2;
	s23 =	simm.s32 $0x3  }
0x19: {  	s24 =	simm.s32 $0x7;
	s25 =	simm.s32 $0x4;
	s0 =	simm.s32 $0xA  }
0x1a: {  	v2 =	vlaneseq.u32;
	s18 =	simm.s32 $0x200;
	s26 =	simm.s32 $0x4200;
	s20 =	simm.s32 $0x10A00  }
0x1b: {  	vm0 =	vmmov $0xffff;
	v1 =	vshrl.u32 v2, $0x3;
	s13 =	simm.s32 $0x11A00;
	s14 =	simm.s32 $0x12200;
	s15 =	simm.s32 $0x12A00  }
0x1c: {  	v0 =	vand.u32 $0x7, v2;
	v2 =	vor.u32 $0x8, v2;
	v1 =	vmul.u32 $0x8, v1;
	s16 =	simm.s32 $0x13200;
	s17 =	simm.s32 $0x13A00;
	s19 =	simm.s32 $0x14200  }
.LBB2_1:
0x1d: {  	s11 =	rddreg [dreg:$0x4];
	s12 =	simm.s32 $0xD  }
0x1e: {  	[tilespmem:s3], [sflag:$0xD] =	stream.linear.gather [hbm4b:s11+s3], $0x200, $0x38;
	[tilespmem:$0x18200] =	vst v63  }
0x1f: {  	_ =	swait.ge [sflag:s12], $0x200  }
0x20: {  	[sflag:s12] =	ssyncset.done $0x0  }
0x21: {  	[sflag:s12] =	ssyncadd.s32 $0xFFFFFE00  }
0x22: {  	v3 =	vld [tilespmem:$0x0];
	_ =	sdelay $0x4  }
0x23: {  	v4 =	vshll.u32 v3, $0x3  }
0x24: {  	v3 =	vand.u32 $0x7, v3;
	v4 =	vand.u32 $0xFFFFFFC0, v4  }
0x25: {  	v3 =	vor.u32 v3, v4  }
0x26: {  	v4 =	vperm.xlane v3, v0;
	_ =	sdelay $0x1  }
0x27: {  	v4 =	vadd.s32 v1, v4;
	_ =	sdelay $0x4  }
0x28: {  	[tilespmem:s18], [sflag:$0x1] =	stream.indirect_vreg.gather [hbm4b:s1+s3], $0x80, v4, vm0, $0xb8;
	[tilespmem:$0x18200] =	vst v63  }
0x29: {  	s2 =	simm.s32 $0xA00;
	v3 =	vperm.xlane v3, v2  }
0x2a: {  	[tilespmem:s2], [sflag:$0x1] =	stream.indirect_vreg.gather [hbm4b:s5+s3], $0x80, v4, vm0, $0xb8;
	[tilespmem:$0x18200] =	vst v63  }
0x2b: {  	s21 =	simm.s32 $0x1200;
	v3 =	vadd.s32 v1, v3  }
0x2c: {  	[tilespmem:s21], [sflag:$0x1] =	stream.indirect_vreg.gather [hbm4b:s6+s3], $0x80, v4, vm0, $0xb8;
	[tilespmem:$0x18200] =	vst v63  }
0x2d: {  	s10 =	simm.s32 $0x1A00  }
0x2e: {  	[tilespmem:s10], [sflag:$0x1] =	stream.indirect_vreg.gather [hbm4b:s7+s3], $0x80, v4, vm0, $0xb8;
	[tilespmem:$0x18200] =	vst v63  }
0x2f: {  	s11 =	simm.s32 $0x2200  }
0x30: {  	[tilespmem:s11], [sflag:$0x1] =	stream.indirect_vreg.gather [hbm4b:s1+s3], $0x80, v3, vm0, $0xb8;
	[tilespmem:$0x18200] =	vst v63  }
0x31: {  	s12 =	simm.s32 $0x2A00  }
0x32: {  	[tilespmem:s12], [sflag:$0x1] =	stream.indirect_vreg.gather [hbm4b:s5+s3], $0x80, v3, vm0, $0xb8;
	[tilespmem:$0x18200] =	vst v63  }
0x33: {  	s21 =	simm.s32 $0x3200  }
0x34: {  	[tilespmem:s21], [sflag:$0x1] =	stream.indirect_vreg.gather [hbm4b:s6+s3], $0x80, v3, vm0, $0xb8;
	[tilespmem:$0x18200] =	vst v63  }
0x35: {  	s10 =	simm.s32 $0x3A00  }
0x36: {  	[tilespmem:s10], [sflag:$0x1] =	stream.indirect_vreg.gather [hbm4b:s7+s3], $0x80, v3, vm0, $0xb8;
	[tilespmem:$0x18200] =	vst v63  }
0x37: {  	v3 =	vld [tilespmem:$0x10];
	_ =	sdelay $0x4  }
0x38: {  	v49 =	vshll.u32 v3, $0x3  }
0x39: {  	v3 =	vand.u32 $0x7, v3;
	v4 =	vand.u32 $0xFFFFFFC0, v49  }
0x3a: {  	v3 =	vor.u32 v3, v4  }
0x3b: {  	v4 =	vperm.xlane v3, v0;
	_ =	sdelay $0x1  }
0x3c: {  	v4 =	vadd.s32 v1, v4;
	_ =	sdelay $0x4  }
0x3d: {  	[tilespmem:s26], [sflag:$0x2] =	stream.indirect_vreg.gather [hbm4b:s1+s3], $0x80, v4, vm0, $0xb8;
	[tilespmem:$0x18200] =	vst v63  }
0x3e: {  	s11 =	simm.s32 $0x4A00;
	v3 =	vperm.xlane v3, v2  }
0x3f: {  	[tilespmem:s11], [sflag:$0x2] =	stream.indirect_vreg.gather [hbm4b:s5+s3], $0x80, v4, vm0, $0xb8;
	[tilespmem:$0x18200] =	vst v63  }
0x40: {  	s12 =	simm.s32 $0x5200;
	v3 =	vadd.s32 v1, v3  }
0x41: {  	[tilespmem:s12], [sflag:$0x2] =	stream.indirect_vreg.gather [hbm4b:s6+s3], $0x80, v4, vm0, $0xb8;
	[tilespmem:$0x18200] =	vst v63  }
0x42: {  	s10 =	simm.s32 $0x5A00  }
0x43: {  	[tilespmem:s10], [sflag:$0x2] =	stream.indirect_vreg.gather [hbm4b:s7+s3], $0x80, v4, vm0, $0xb8;
	[tilespmem:$0x18200] =	vst v63  }
0x44: {  	s11 =	simm.s32 $0x6200  }
0x45: {  	[tilespmem:s11], [sflag:$0x2] =	stream.indirect_vreg.gather [hbm4b:s1+s3], $0x80, v3, vm0, $0xb8;
	[tilespmem:$0x18200] =	vst v63  }
0x46: {  	s12 =	simm.s32 $0x6A00  }
0x47: {  	[tilespmem:s12], [sflag:$0x2] =	stream.indirect_vreg.gather [hbm4b:s5+s3], $0x80, v3, vm0, $0xb8;
	[tilespmem:$0x18200] =	vst v63  }
0x48: {  	s10 =	simm.s32 $0x7200  }
0x49: {  	[tilespmem:s10], [sflag:$0x2] =	stream.indirect_vreg.gather [hbm4b:s6+s3], $0x80, v3, vm0, $0xb8;
	[tilespmem:$0x18200] =	vst v63  }
0x4a: {  	s11 =	simm.s32 $0x7A00  }
0x4b: {  	[tilespmem:s11], [sflag:$0x2] =	stream.indirect_vreg.gather [hbm4b:s7+s3], $0x80, v3, vm0, $0xb8;
	[tilespmem:$0x18200] =	vst v63  }
0x4c: {  	v3 =	vld [tilespmem:$0x20];
	_ =	sdelay $0x4  }
0x4d: {  	v50 =	vshll.u32 v3, $0x3  }
0x4e: {  	v3 =	vand.u32 $0x7, v3;
	v4 =	vand.u32 $0xFFFFFFC0, v50  }
0x4f: {  	v3 =	vor.u32 v3, v4  }
0x50: {  	v4 =	vperm.xlane v3, v0;
	_ =	sdelay $0x1  }
0x51: {  	v4 =	vadd.s32 v1, v4;
	_ =	sdelay $0x4  }
0x52: {  	[tilespmem:s29], [sflag:$0x3] =	stream.indirect_vreg.gather [hbm4b:s1+s3], $0x80, v4, vm0, $0xb8;
	[tilespmem:$0x18200] =	vst v63  }
0x53: {  	s12 =	simm.s32 $0x8A00;
	v3 =	vperm.xlane v3, v2  }
0x54: {  	[tilespmem:s12], [sflag:$0x3] =	stream.indirect_vreg.gather [hbm4b:s5+s3], $0x80, v4, vm0, $0xb8;
	[tilespmem:$0x18200] =	vst v63  }
0x55: {  	s10 =	simm.s32 $0x9200;
	v3 =	vadd.s32 v1, v3  }
0x56: {  	[tilespmem:s10], [sflag:$0x3] =	stream.indirect_vreg.gather [hbm4b:s6+s3], $0x80, v4, vm0, $0xb8;
	[tilespmem:$0x18200] =	vst v63  }
0x57: {  	s11 =	simm.s32 $0x9A00  }
0x58: {  	[tilespmem:s11], [sflag:$0x3] =	stream.indirect_vreg.gather [hbm4b:s7+s3], $0x80, v4, vm0, $0xb8;
	[tilespmem:$0x18200] =	vst v63  }
0x59: {  	s12 =	simm.s32 $0xA200  }
0x5a: {  	[tilespmem:s12], [sflag:$0x3] =	stream.indirect_vreg.gather [hbm4b:s1+s3], $0x80, v3, vm0, $0xb8;
	[tilespmem:$0x18200] =	vst v63  }
0x5b: {  	s10 =	simm.s32 $0xAA00  }
0x5c: {  	[tilespmem:s10], [sflag:$0x3] =	stream.indirect_vreg.gather [hbm4b:s5+s3], $0x80, v3, vm0, $0xb8;
	[tilespmem:$0x18200] =	vst v63  }
0x5d: {  	s11 =	simm.s32 $0xB200  }
0x5e: {  	[tilespmem:s11], [sflag:$0x3] =	stream.indirect_vreg.gather [hbm4b:s6+s3], $0x80, v3, vm0, $0xb8;
	[tilespmem:$0x18200] =	vst v63  }
0x5f: {  	s12 =	simm.s32 $0xBA00  }
0x60: {  	[tilespmem:s12], [sflag:$0x3] =	stream.indirect_vreg.gather [hbm4b:s7+s3], $0x80, v3, vm0, $0xb8;
	[tilespmem:$0x18200] =	vst v63  }
0x61: {  	v3 =	vld [tilespmem:$0x30];
	_ =	sdelay $0x4  }
0x62: {  	v51 =	vshll.u32 v3, $0x3  }
0x63: {  	v3 =	vand.u32 $0x7, v3;
	v4 =	vand.u32 $0xFFFFFFC0, v51  }
0x64: {  	v3 =	vor.u32 v3, v4  }
0x65: {  	v4 =	vperm.xlane v3, v0;
	_ =	sdelay $0x1  }
0x66: {  	v4 =	vadd.s32 v1, v4;
	_ =	sdelay $0x4  }
0x67: {  	[tilespmem:s9], [sflag:$0x4] =	stream.indirect_vreg.gather [hbm4b:s1+s3], $0x80, v4, vm0, $0xb8;
	[tilespmem:$0x18200] =	vst v63  }
0x68: {  	s10 =	simm.s32 $0xCA00;
	v3 =	vperm.xlane v3, v2  }
0x69: {  	[tilespmem:s10], [sflag:$0x4] =	stream.indirect_vreg.gather [hbm4b:s5+s3], $0x80, v4, vm0, $0xb8;
	[tilespmem:$0x18200] =	vst v63  }
0x6a: {  	s11 =	simm.s32 $0xD200;
	v3 =	vadd.s32 v1, v3  }
0x6b: {  	[tilespmem:s11], [sflag:$0x4] =	stream.indirect_vreg.gather [hbm4b:s6+s3], $0x80, v4, vm0, $0xb8;
	[tilespmem:$0x18200] =	vst v63  }
0x6c: {  	s12 =	simm.s32 $0xDA00  }
0x6d: {  	[tilespmem:s12], [sflag:$0x4] =	stream.indirect_vreg.gather [hbm4b:s7+s3], $0x80, v4, vm0, $0xb8;
	[tilespmem:$0x18200] =	vst v63  }
0x6e: {  	s10 =	simm.s32 $0xE200  }
0x6f: {  	[tilespmem:s10], [sflag:$0x4] =	stream.indirect_vreg.gather [hbm4b:s1+s3], $0x80, v3, vm0, $0xb8;
	[tilespmem:$0x18200] =	vst v63  }
0x70: {  	s11 =	simm.s32 $0xEA00  }
0x71: {  	[tilespmem:s11], [sflag:$0x4] =	stream.indirect_vreg.gather [hbm4b:s5+s3], $0x80, v3, vm0, $0xb8;
	[tilespmem:$0x18200] =	vst v63  }
0x72: {  	s12 =	simm.s32 $0xF200  }
0x73: {  	[tilespmem:s12], [sflag:$0x4] =	stream.indirect_vreg.gather [hbm4b:s6+s3], $0x80, v3, vm0, $0xb8;
	[tilespmem:$0x18200] =	vst v63  }
0x74: {  	s10 =	simm.s32 $0xFA00  }
0x75: {  	[tilespmem:s10], [sflag:$0x4] =	stream.indirect_vreg.gather [hbm4b:s7+s3], $0x80, v3, vm0, $0xb8;
	[tilespmem:$0x18200] =	vst v63  }
0x76: {  	v3 =	vld [tilespmem:$0x80];
	_ =	sdelay $0x4  }
0x77: {  	v52 =	vshll.u32 v3, $0x3  }
0x78: {  	v3 =	vand.u32 $0x7, v3;
	v4 =	vand.u32 $0xFFFFFFC0, v52  }
0x79: {  	v3 =	vor.u32 v3, v4  }
0x7a: {  	v4 =	vperm.xlane v3, v0;
	_ =	sdelay $0x1  }
0x7b: {  	v4 =	vadd.s32 v1, v4;
	_ =	sdelay $0x3  }
0x7c: {  	s10 =	simm.s32 $0x10200  }
0x7d: {  	[tilespmem:s10], [sflag:$0x5] =	stream.indirect_vreg.gather [hbm4b:s1+s3], $0x80, v4, vm0, $0xb8;
	[tilespmem:$0x18200] =	vst v63  }
0x7e: {  	v3 =	vperm.xlane v3, v2  }
0x7f: {  	[tilespmem:s20], [sflag:$0x5] =	stream.indirect_vreg.gather [hbm4b:s5+s3], $0x80, v4, vm0, $0xb8;
	[tilespmem:$0x18200] =	vst v63  }
0x80: {  	s12 =	simm.s32 $0x11200;
	v3 =	vadd.s32 v1, v3  }
0x81: {  	[tilespmem:s12], [sflag:$0x5] =	stream.indirect_vreg.gather [hbm4b:s6+s3], $0x80, v4, vm0, $0xb8;
	[tilespmem:$0x18200] =	vst v63  }
0x82: {  	_ = 	snop  }
0x83: {  	[tilespmem:s13], [sflag:$0x5] =	stream.indirect_vreg.gather [hbm4b:s7+s3], $0x80, v4, vm0, $0xb8;
	[tilespmem:$0x18200] =	vst v63  }
0x84: {  	_ = 	snop  }
0x85: {  	[tilespmem:s14], [sflag:$0x5] =	stream.indirect_vreg.gather [hbm4b:s1+s3], $0x80, v3, vm0, $0xb8;
	[tilespmem:$0x18200] =	vst v63  }
0x86: {  	_ = 	snop  }
0x87: {  	[tilespmem:s15], [sflag:$0x5] =	stream.indirect_vreg.gather [hbm4b:s5+s3], $0x80, v3, vm0, $0xb8;
	[tilespmem:$0x18200] =	vst v63  }
0x88: {  	_ = 	snop  }
0x89: {  	[tilespmem:s16], [sflag:$0x5] =	stream.indirect_vreg.gather [hbm4b:s6+s3], $0x80, v3, vm0, $0xb8;
	[tilespmem:$0x18200] =	vst v63  }
0x8a: {  	_ = 	snop  }
0x8b: {  	[tilespmem:s17], [sflag:$0x5] =	stream.indirect_vreg.gather [hbm4b:s7+s3], $0x80, v3, vm0, $0xb8;
	[tilespmem:$0x18200] =	vst v63  }
0x8c: {  	v3 =	vld [tilespmem:$0x90];
	_ =	sdelay $0x4  }
0x8d: {  	v53 =	vshll.u32 v3, $0x3  }
0x8e: {  	v3 =	vand.u32 $0x7, v3;
	v4 =	vand.u32 $0xFFFFFFC0, v53  }
0x8f: {  	v3 =	vor.u32 v3, v4  }
0x90: {  	v4 =	vperm.xlane v3, v0;
	_ =	sdelay $0x1  }
0x91: {  	v4 =	vadd.s32 v1, v4;
	_ =	sdelay $0x4  }
0x92: {  	[tilespmem:s19], [sflag:$0x6] =	stream.indirect_vreg.gather [hbm4b:s1+s3], $0x80, v4, vm0, $0xb8;
	[tilespmem:$0x18200] =	vst v63  }
0x93: {  	s11 =	simm.s32 $0x14A00;
	v3 =	vperm.xlane v3, v2  }
0x94: {  	[tilespmem:s11], [sflag:$0x6] =	stream.indirect_vreg.gather [hbm4b:s5+s3], $0x80, v4, vm0, $0xb8;
	[tilespmem:$0x18200] =	vst v63  }
0x95: {  	v3 =	vadd.s32 v1, v3;
	s11 =	simm.s32 $0x15200  }
0x96: {  	[tilespmem:s11], [sflag:$0x6] =	stream.indirect_vreg.gather [hbm4b:s6+s3], $0x80, v4, vm0, $0xb8;
	[tilespmem:$0x18200] =	vst v63  }
0x97: {  	s11 =	simm.s32 $0x15A00  }
0x98: {  	[tilespmem:s11], [sflag:$0x6] =	stream.indirect_vreg.gather [hbm4b:s7+s3], $0x80, v4, vm0, $0xb8;
	[tilespmem:$0x18200] =	vst v63  }
0x99: {  	s11 =	simm.s32 $0x16200  }
0x9a: {  	[tilespmem:s11], [sflag:$0x6] =	stream.indirect_vreg.gather [hbm4b:s1+s3], $0x80, v3, vm0, $0xb8;
	[tilespmem:$0x18200] =	vst v63  }
0x9b: {  	s11 =	simm.s32 $0x16A00  }
0x9c: {  	[tilespmem:s11], [sflag:$0x6] =	stream.indirect_vreg.gather [hbm4b:s5+s3], $0x80, v3, vm0, $0xb8;
	[tilespmem:$0x18200] =	vst v63  }
0x9d: {  	s11 =	simm.s32 $0x17200  }
0x9e: {  	[tilespmem:s11], [sflag:$0x6] =	stream.indirect_vreg.gather [hbm4b:s6+s3], $0x80, v3, vm0, $0xb8;
	[tilespmem:$0x18200] =	vst v63  }
0x9f: {  	s11 =	simm.s32 $0x17A00  }
0xa0: {  	[tilespmem:s11], [sflag:$0x6] =	stream.indirect_vreg.gather [hbm4b:s7+s3], $0x80, v3, vm0, $0xb8;
	[tilespmem:$0x18200] =	vst v63  }
0xa1: {  	_ =	swait.ge [sflag:s31], $0x4000  }
0xa2: {  	[sflag:s31] =	ssyncset.done $0x0  }
0xa3: {  	s2 =	rddreg [dreg:$0x14];
	[sflag:s31] =	ssyncadd.s32 $0xFFFFC000  }
0xa4: {  	[hbm4b:s2+s3] =	stream.linear.scatter [tilespmem:s18], [sflag:$0x7], $0x4000, $0x38;
	[tilespmem:$0x18200] =	vst v63  }
0xa5: {  	_ =	swait.ge [sflag:s22], $0x4000  }
0xa6: {  	[sflag:s22] =	ssyncset.done $0x0  }
0xa7: {  	s2 =	rddreg [dreg:$0x5];
	[sflag:s22] =	ssyncadd.s32 $0xFFFFC000  }
0xa8: {  	[hbm4b:s2+s3] =	stream.linear.scatter [tilespmem:s26], [sflag:$0x8], $0x4000, $0x38;
	[tilespmem:$0x18200] =	vst v63  }
0xa9: {  	_ =	swait.ge [sflag:s23], $0x4000  }
0xaa: {  	[sflag:s23] =	ssyncset.done $0x0  }
0xab: {  	s2 =	rddreg [dreg:$0x6];
	[sflag:s23] =	ssyncadd.s32 $0xFFFFC000  }
0xac: {  	[hbm4b:s2+s3] =	stream.linear.scatter [tilespmem:s29], [sflag:$0x9], $0x4000, $0x38;
	[tilespmem:$0x18200] =	vst v63  }
0xad: {  	_ =	swait.ge [sflag:s24], $0x4000  }
0xae: {  	[sflag:s24] =	ssyncset.done $0x0  }
0xaf: {  	[sflag:s24] =	ssyncadd.s32 $0xFFFFC000  }
0xb0: {  	v3 =	vld [tilespmem:$0xA0];
	_ =	sdelay $0x4  }
0xb1: {  	v54 =	vshll.u32 v3, $0x3  }
0xb2: {  	v3 =	vand.u32 $0x7, v3;
	v4 =	vand.u32 $0xFFFFFFC0, v54  }
0xb3: {  	v3 =	vor.u32 v3, v4  }
0xb4: {  	v4 =	vperm.xlane v3, v0;
	_ =	sdelay $0x1  }
0xb5: {  	v4 =	vadd.s32 v1, v4;
	_ =	sdelay $0x4  }
0xb6: {  	[tilespmem:s18], [sflag:$0x1] =	stream.indirect_vreg.gather [hbm4b:s1+s3], $0x80, v4, vm0, $0xb8;
	[tilespmem:$0x18200] =	vst v63  }
0xb7: {  	s4 =	simm.s32 $0xA00;
	v3 =	vperm.xlane v3, v2  }
0xb8: {  	[tilespmem:s4], [sflag:$0x1] =	stream.indirect_vreg.gather [hbm4b:s5+s3], $0x80, v4, vm0, $0xb8;
	[tilespmem:$0x18200] =	vst v63  }
0xb9: {  	s11 =	simm.s32 $0x1200;
	v3 =	vadd.s32 v1, v3  }
0xba: {  	[tilespmem:s11], [sflag:$0x1] =	stream.indirect_vreg.gather [hbm4b:s6+s3], $0x80, v4, vm0, $0xb8;
	[tilespmem:$0x18200] =	vst v63  }
0xbb: {  	s4 =	simm.s32 $0x1A00  }
0xbc: {  	[tilespmem:s4], [sflag:$0x1] =	stream.indirect_vreg.gather [hbm4b:s7+s3], $0x80, v4, vm0, $0xb8;
	[tilespmem:$0x18200] =	vst v63  }
0xbd: {  	s11 =	simm.s32 $0x2200  }
0xbe: {  	[tilespmem:s11], [sflag:$0x1] =	stream.indirect_vreg.gather [hbm4b:s1+s3], $0x80, v3, vm0, $0xb8;
	[tilespmem:$0x18200] =	vst v63  }
0xbf: {  	s4 =	simm.s32 $0x2A00  }
0xc0: {  	[tilespmem:s4], [sflag:$0x1] =	stream.indirect_vreg.gather [hbm4b:s5+s3], $0x80, v3, vm0, $0xb8;
	[tilespmem:$0x18200] =	vst v63  }
0xc1: {  	s11 =	simm.s32 $0x3200  }
0xc2: {  	[tilespmem:s11], [sflag:$0x1] =	stream.indirect_vreg.gather [hbm4b:s6+s3], $0x80, v3, vm0, $0xb8;
	[tilespmem:$0x18200] =	vst v63  }
0xc3: {  	s21 =	simm.s32 $0x3A00  }
0xc4: {  	[tilespmem:s21], [sflag:$0x1] =	stream.indirect_vreg.gather [hbm4b:s7+s3], $0x80, v3, vm0, $0xb8;
	[tilespmem:$0x18200] =	vst v63  }
0xc5: {  	_ =	swait.ge [sflag:s25], $0x4000  }
0xc6: {  	[sflag:s25] =	ssyncset.done $0x0  }
0xc7: {  	s4 =	rddreg [dreg:$0x7];
	[sflag:s25] =	ssyncadd.s32 $0xFFFFC000  }
0xc8: {  	[hbm4b:s4+s3] =	stream.linear.scatter [tilespmem:s9], [sflag:$0xA], $0x4000, $0x38;
	[tilespmem:$0x18200] =	vst v63  }
0xc9: {  	_ =	swait.ge [sflag:s28], $0x4000  }
0xca: {  	[sflag:s28] =	ssyncset.done $0x0  }
0xcb: {  	[sflag:s28] =	ssyncadd.s32 $0xFFFFC000  }
0xcc: {  	v3 =	vld [tilespmem:$0xB0];
	_ =	sdelay $0x4  }
0xcd: {  	v55 =	vshll.u32 v3, $0x3  }
0xce: {  	v3 =	vand.u32 $0x7, v3;
	v4 =	vand.u32 $0xFFFFFFC0, v55  }
0xcf: {  	v3 =	vor.u32 v3, v4  }
0xd0: {  	v4 =	vperm.xlane v3, v0;
	_ =	sdelay $0x1  }
0xd1: {  	v4 =	vadd.s32 v1, v4;
	_ =	sdelay $0x4  }
0xd2: {  	[tilespmem:s26], [sflag:$0x2] =	stream.indirect_vreg.gather [hbm4b:s1+s3], $0x80, v4, vm0, $0xb8;
	[tilespmem:$0x18200] =	vst v63  }
0xd3: {  	s21 =	simm.s32 $0x4A00;
	v3 =	vperm.xlane v3, v2  }
0xd4: {  	[tilespmem:s21], [sflag:$0x2] =	stream.indirect_vreg.gather [hbm4b:s5+s3], $0x80, v4, vm0, $0xb8;
	[tilespmem:$0x18200] =	vst v63  }
0xd5: {  	s4 =	simm.s32 $0x5200;
	v3 =	vadd.s32 v1, v3  }
0xd6: {  	[tilespmem:s4], [sflag:$0x2] =	stream.indirect_vreg.gather [hbm4b:s6+s3], $0x80, v4, vm0, $0xb8;
	[tilespmem:$0x18200] =	vst v63  }
0xd7: {  	s11 =	simm.s32 $0x5A00  }
0xd8: {  	[tilespmem:s11], [sflag:$0x2] =	stream.indirect_vreg.gather [hbm4b:s7+s3], $0x80, v4, vm0, $0xb8;
	[tilespmem:$0x18200] =	vst v63  }
0xd9: {  	s21 =	simm.s32 $0x6200  }
0xda: {  	[tilespmem:s21], [sflag:$0x2] =	stream.indirect_vreg.gather [hbm4b:s1+s3], $0x80, v3, vm0, $0xb8;
	[tilespmem:$0x18200] =	vst v63  }
0xdb: {  	s4 =	simm.s32 $0x6A00  }
0xdc: {  	[tilespmem:s4], [sflag:$0x2] =	stream.indirect_vreg.gather [hbm4b:s5+s3], $0x80, v3, vm0, $0xb8;
	[tilespmem:$0x18200] =	vst v63  }
0xdd: {  	s11 =	simm.s32 $0x7200  }
0xde: {  	[tilespmem:s11], [sflag:$0x2] =	stream.indirect_vreg.gather [hbm4b:s6+s3], $0x80, v3, vm0, $0xb8;
	[tilespmem:$0x18200] =	vst v63  }
0xdf: {  	s21 =	simm.s32 $0x7A00  }
0xe0: {  	[tilespmem:s21], [sflag:$0x2] =	stream.indirect_vreg.gather [hbm4b:s7+s3], $0x80, v3, vm0, $0xb8;
	[tilespmem:$0x18200] =	vst v63  }
0xe1: {  	s21 =	simm.s32 $0x5  }
0xe2: {  	_ =	swait.ge [sflag:s21], $0x4000  }
0xe3: {  	[sflag:s21] =	ssyncset.done $0x0  }
0xe4: {  	s4 =	rddreg [dreg:$0x8];
	[sflag:s21] =	ssyncadd.s32 $0xFFFFC000  }
0xe5: {  	[hbm4b:s4+s3] =	stream.linear.scatter [tilespmem:s10], [sflag:$0xB], $0x4000, $0x38;
	[tilespmem:$0x18200] =	vst v63  }
0xe6: {  	_ =	swait.ge [sflag:s30], $0x4000  }
0xe7: {  	[sflag:s30] =	ssyncset.done $0x0  }
0xe8: {  	[sflag:s30] =	ssyncadd.s32 $0xFFFFC000  }
0xe9: {  	v3 =	vld [tilespmem:$0x100];
	_ =	sdelay $0x4  }
0xea: {  	v56 =	vshll.u32 v3, $0x3  }
0xeb: {  	v3 =	vand.u32 $0x7, v3;
	v4 =	vand.u32 $0xFFFFFFC0, v56  }
0xec: {  	v3 =	vor.u32 v3, v4  }
0xed: {  	v4 =	vperm.xlane v3, v0;
	_ =	sdelay $0x1  }
0xee: {  	v4 =	vadd.s32 v1, v4;
	_ =	sdelay $0x4  }
0xef: {  	[tilespmem:s29], [sflag:$0x3] =	stream.indirect_vreg.gather [hbm4b:s1+s3], $0x80, v4, vm0, $0xb8;
	[tilespmem:$0x18200] =	vst v63  }
0xf0: {  	s11 =	simm.s32 $0x8A00;
	v3 =	vperm.xlane v3, v2  }
0xf1: {  	[tilespmem:s11], [sflag:$0x3] =	stream.indirect_vreg.gather [hbm4b:s5+s3], $0x80, v4, vm0, $0xb8;
	[tilespmem:$0x18200] =	vst v63  }
0xf2: {  	s4 =	simm.s32 $0x9200;
	v3 =	vadd.s32 v1, v3  }
0xf3: {  	[tilespmem:s4], [sflag:$0x3] =	stream.indirect_vreg.gather [hbm4b:s6+s3], $0x80, v4, vm0, $0xb8;
	[tilespmem:$0x18200] =	vst v63  }
0xf4: {  	s11 =	simm.s32 $0x9A00  }
0xf5: {  	[tilespmem:s11], [sflag:$0x3] =	stream.indirect_vreg.gather [hbm4b:s7+s3], $0x80, v4, vm0, $0xb8;
	[tilespmem:$0x18200] =	vst v63  }
0xf6: {  	s4 =	simm.s32 $0xA200  }
0xf7: {  	[tilespmem:s4], [sflag:$0x3] =	stream.indirect_vreg.gather [hbm4b:s1+s3], $0x80, v3, vm0, $0xb8;
	[tilespmem:$0x18200] =	vst v63  }
0xf8: {  	s11 =	simm.s32 $0xAA00  }
0xf9: {  	[tilespmem:s11], [sflag:$0x3] =	stream.indirect_vreg.gather [hbm4b:s5+s3], $0x80, v3, vm0, $0xb8;
	[tilespmem:$0x18200] =	vst v63  }
0xfa: {  	s4 =	simm.s32 $0xB200  }
0xfb: {  	[tilespmem:s4], [sflag:$0x3] =	stream.indirect_vreg.gather [hbm4b:s6+s3], $0x80, v3, vm0, $0xb8;
	[tilespmem:$0x18200] =	vst v63  }
0xfc: {  	s2 =	simm.s32 $0x6;
	s11 =	simm.s32 $0xBA00  }
0xfd: {  	[tilespmem:s11], [sflag:$0x3] =	stream.indirect_vreg.gather [hbm4b:s7+s3], $0x80, v3, vm0, $0xb8;
	[tilespmem:$0x18200] =	vst v63  }
0xfe: {  	_ =	swait.ge [sflag:s2], $0x4000  }
0xff: {  	[sflag:s2] =	ssyncset.done $0x0  }
0x100: {  	s4 =	rddreg [dreg:$0x9];
	[sflag:s2] =	ssyncadd.s32 $0xFFFFC000  }
0x101: {  	[hbm4b:s4+s3] =	stream.linear.scatter [tilespmem:s19], [sflag:$0xC], $0x4000, $0x38;
	[tilespmem:$0x18200] =	vst v63  }
0x102: {  	_ =	swait.ge [sflag:s0], $0x4000  }
0x103: {  	[sflag:s0] =	ssyncset.done $0x0  }
0x104: {  	[sflag:s0] =	ssyncadd.s32 $0xFFFFC000  }
0x105: {  	v3 =	vld [tilespmem:$0x110];
	_ =	sdelay $0x4  }
0x106: {  	v57 =	vshll.u32 v3, $0x3  }
0x107: {  	v3 =	vand.u32 $0x7, v3;
	v4 =	vand.u32 $0xFFFFFFC0, v57  }
0x108: {  	v3 =	vor.u32 v3, v4  }
0x109: {  	v4 =	vperm.xlane v3, v0;
	_ =	sdelay $0x1  }
0x10a: {  	v4 =	vadd.s32 v1, v4;
	_ =	sdelay $0x4  }
0x10b: {  	[tilespmem:s9], [sflag:$0x4] =	stream.indirect_vreg.gather [hbm4b:s1+s3], $0x80, v4, vm0, $0xb8;
	[tilespmem:$0x18200] =	vst v63  }
0x10c: {  	s11 =	simm.s32 $0xCA00;
	v3 =	vperm.xlane v3, v2  }
0x10d: {  	[tilespmem:s11], [sflag:$0x4] =	stream.indirect_vreg.gather [hbm4b:s5+s3], $0x80, v4, vm0, $0xb8;
	[tilespmem:$0x18200] =	vst v63  }
0x10e: {  	v3 =	vadd.s32 v1, v3;
	s11 =	simm.s32 $0xD200  }
0x10f: {  	[tilespmem:s11], [sflag:$0x4] =	stream.indirect_vreg.gather [hbm4b:s6+s3], $0x80, v4, vm0, $0xb8;
	[tilespmem:$0x18200] =	vst v63  }
0x110: {  	s11 =	simm.s32 $0xDA00  }
0x111: {  	[tilespmem:s11], [sflag:$0x4] =	stream.indirect_vreg.gather [hbm4b:s7+s3], $0x80, v4, vm0, $0xb8;
	[tilespmem:$0x18200] =	vst v63  }
0x112: {  	s11 =	simm.s32 $0xE200  }
0x113: {  	[tilespmem:s11], [sflag:$0x4] =	stream.indirect_vreg.gather [hbm4b:s1+s3], $0x80, v3, vm0, $0xb8;
	[tilespmem:$0x18200] =	vst v63  }
0x114: {  	s11 =	simm.s32 $0xEA00  }
0x115: {  	[tilespmem:s11], [sflag:$0x4] =	stream.indirect_vreg.gather [hbm4b:s5+s3], $0x80, v3, vm0, $0xb8;
	[tilespmem:$0x18200] =	vst v63  }
0x116: {  	s11 =	simm.s32 $0xF200  }
0x117: {  	[tilespmem:s11], [sflag:$0x4] =	stream.indirect_vreg.gather [hbm4b:s6+s3], $0x80, v3, vm0, $0xb8;
	[tilespmem:$0x18200] =	vst v63  }
0x118: {  	s11 =	simm.s32 $0xFA00  }
0x119: {  	[tilespmem:s11], [sflag:$0x4] =	stream.indirect_vreg.gather [hbm4b:s7+s3], $0x80, v3, vm0, $0xb8;
	[tilespmem:$0x18200] =	vst v63  }
0x11a: {  	_ =	swait.ge [sflag:s31], $0x4000  }
0x11b: {  	[sflag:s31] =	ssyncset.done $0x0  }
0x11c: {  	s4 =	rddreg [dreg:$0xa];
	[sflag:s31] =	ssyncadd.s32 $0xFFFFC000  }
0x11d: {  	[hbm4b:s4+s3] =	stream.linear.scatter [tilespmem:s18], [sflag:$0x7], $0x4000, $0x38;
	[tilespmem:$0x18200] =	vst v63  }
0x11e: {  	s4 =	simm.s32 $0xB  }
0x11f: {  	_ =	swait.ge [sflag:s4], $0x4000  }
0x120: {  	[sflag:s4] =	ssyncset.done $0x0  }
0x121: {  	[sflag:s4] =	ssyncadd.s32 $0xFFFFC000  }
0x122: {  	v3 =	vld [tilespmem:$0x120];
	_ =	sdelay $0x4  }
0x123: {  	v58 =	vshll.u32 v3, $0x3  }
0x124: {  	v3 =	vand.u32 $0x7, v3;
	v4 =	vand.u32 $0xFFFFFFC0, v58  }
0x125: {  	v3 =	vor.u32 v3, v4  }
0x126: {  	v4 =	vperm.xlane v3, v0;
	_ =	sdelay $0x1  }
0x127: {  	v4 =	vadd.s32 v1, v4;
	_ =	sdelay $0x4  }
0x128: {  	[tilespmem:s10], [sflag:$0x5] =	stream.indirect_vreg.gather [hbm4b:s1+s3], $0x80, v4, vm0, $0xb8;
	[tilespmem:$0x18200] =	vst v63  }
0x129: {  	v3 =	vperm.xlane v3, v2  }
0x12a: {  	[tilespmem:s20], [sflag:$0x5] =	stream.indirect_vreg.gather [hbm4b:s5+s3], $0x80, v4, vm0, $0xb8;
	[tilespmem:$0x18200] =	vst v63  }
0x12b: {  	v3 =	vadd.s32 v1, v3  }
0x12c: {  	[tilespmem:s12], [sflag:$0x5] =	stream.indirect_vreg.gather [hbm4b:s6+s3], $0x80, v4, vm0, $0xb8;
	[tilespmem:$0x18200] =	vst v63  }
0x12d: {  	_ = 	snop  }
0x12e: {  	[tilespmem:s13], [sflag:$0x5] =	stream.indirect_vreg.gather [hbm4b:s7+s3], $0x80, v4, vm0, $0xb8;
	[tilespmem:$0x18200] =	vst v63  }
0x12f: {  	_ = 	snop  }
0x130: {  	[tilespmem:s14], [sflag:$0x5] =	stream.indirect_vreg.gather [hbm4b:s1+s3], $0x80, v3, vm0, $0xb8;
	[tilespmem:$0x18200] =	vst v63  }
0x131: {  	_ = 	snop  }
0x132: {  	[tilespmem:s15], [sflag:$0x5] =	stream.indirect_vreg.gather [hbm4b:s5+s3], $0x80, v3, vm0, $0xb8;
	[tilespmem:$0x18200] =	vst v63  }
0x133: {  	_ = 	snop  }
0x134: {  	[tilespmem:s16], [sflag:$0x5] =	stream.indirect_vreg.gather [hbm4b:s6+s3], $0x80, v3, vm0, $0xb8;
	[tilespmem:$0x18200] =	vst v63  }
0x135: {  	_ = 	snop  }
0x136: {  	[tilespmem:s17], [sflag:$0x5] =	stream.indirect_vreg.gather [hbm4b:s7+s3], $0x80, v3, vm0, $0xb8;
	[tilespmem:$0x18200] =	vst v63  }
0x137: {  	_ =	swait.ge [sflag:s22], $0x4000  }
0x138: {  	[sflag:s22] =	ssyncset.done $0x0  }
0x139: {  	s12 =	rddreg [dreg:$0xb];
	[sflag:s22] =	ssyncadd.s32 $0xFFFFC000  }
0x13a: {  	[hbm4b:s12+s3] =	stream.linear.scatter [tilespmem:s26], [sflag:$0x8], $0x4000, $0x38;
	[tilespmem:$0x18200] =	vst v63  }
0x13b: {  	s12 =	simm.s32 $0xC  }
0x13c: {  	_ =	swait.ge [sflag:s12], $0x4000  }
0x13d: {  	[sflag:s12] =	ssyncset.done $0x0  }
0x13e: {  	[sflag:s12] =	ssyncadd.s32 $0xFFFFC000  }
0x13f: {  	v3 =	vld [tilespmem:$0x130];
	_ =	sdelay $0x4  }
0x140: {  	v59 =	vshll.u32 v3, $0x3  }
0x141: {  	v3 =	vand.u32 $0x7, v3;
	v4 =	vand.u32 $0xFFFFFFC0, v59  }
0x142: {  	v3 =	vor.u32 v3, v4  }
0x143: {  	v4 =	vperm.xlane v3, v0;
	_ =	sdelay $0x1  }
0x144: {  	v4 =	vadd.s32 v1, v4;
	_ =	sdelay $0x4  }
0x145: {  	[tilespmem:s19], [sflag:$0x6] =	stream.indirect_vreg.gather [hbm4b:s1+s3], $0x80, v4, vm0, $0xb8;
	[tilespmem:$0x18200] =	vst v63  }
0x146: {  	s11 =	simm.s32 $0x14A00;
	v3 =	vperm.xlane v3, v2  }
0x147: {  	[tilespmem:s11], [sflag:$0x6] =	stream.indirect_vreg.gather [hbm4b:s5+s3], $0x80, v4, vm0, $0xb8;
	[tilespmem:$0x18200] =	vst v63  }
0x148: {  	v3 =	vadd.s32 v1, v3;
	s11 =	simm.s32 $0x15200  }
0x149: {  	[tilespmem:s11], [sflag:$0x6] =	stream.indirect_vreg.gather [hbm4b:s6+s3], $0x80, v4, vm0, $0xb8;
	[tilespmem:$0x18200] =	vst v63  }
0x14a: {  	s11 =	simm.s32 $0x15A00  }
0x14b: {  	[tilespmem:s11], [sflag:$0x6] =	stream.indirect_vreg.gather [hbm4b:s7+s3], $0x80, v4, vm0, $0xb8;
	[tilespmem:$0x18200] =	vst v63  }
0x14c: {  	s11 =	simm.s32 $0x16200  }
0x14d: {  	[tilespmem:s11], [sflag:$0x6] =	stream.indirect_vreg.gather [hbm4b:s1+s3], $0x80, v3, vm0, $0xb8;
	[tilespmem:$0x18200] =	vst v63  }
0x14e: {  	s11 =	simm.s32 $0x16A00  }
0x14f: {  	[tilespmem:s11], [sflag:$0x6] =	stream.indirect_vreg.gather [hbm4b:s5+s3], $0x80, v3, vm0, $0xb8;
	[tilespmem:$0x18200] =	vst v63  }
0x150: {  	s11 =	simm.s32 $0x17200  }
0x151: {  	[tilespmem:s11], [sflag:$0x6] =	stream.indirect_vreg.gather [hbm4b:s6+s3], $0x80, v3, vm0, $0xb8;
	[tilespmem:$0x18200] =	vst v63  }
0x152: {  	s11 =	simm.s32 $0x17A00  }
0x153: {  	[tilespmem:s11], [sflag:$0x6] =	stream.indirect_vreg.gather [hbm4b:s7+s3], $0x80, v3, vm0, $0xb8;
	[tilespmem:$0x18200] =	vst v63  }
0x154: {  	_ =	swait.ge [sflag:s23], $0x4000  }
0x155: {  	[sflag:s23] =	ssyncset.done $0x0  }
0x156: {  	s11 =	rddreg [dreg:$0xc];
	[sflag:s23] =	ssyncadd.s32 $0xFFFFC000  }
0x157: {  	[hbm4b:s11+s3] =	stream.linear.scatter [tilespmem:s29], [sflag:$0x9], $0x4000, $0x38;
	[tilespmem:$0x18200] =	vst v63  }
0x158: {  	_ =	swait.ge [sflag:s24], $0x4000  }
0x159: {  	[sflag:s24] =	ssyncset.done $0x0  }
0x15a: {  	[sflag:s24] =	ssyncadd.s32 $0xFFFFC000  }
0x15b: {  	v3 =	vld [tilespmem:$0x180];
	_ =	sdelay $0x4  }
0x15c: {  	v60 =	vshll.u32 v3, $0x3  }
0x15d: {  	v3 =	vand.u32 $0x7, v3;
	v4 =	vand.u32 $0xFFFFFFC0, v60  }
0x15e: {  	v3 =	vor.u32 v3, v4  }
0x15f: {  	v4 =	vperm.xlane v3, v0;
	_ =	sdelay $0x1  }
0x160: {  	v4 =	vadd.s32 v1, v4;
	_ =	sdelay $0x4  }
0x161: {  	[tilespmem:s18], [sflag:$0x1] =	stream.indirect_vreg.gather [hbm4b:s1+s3], $0x80, v4, vm0, $0xb8;
	[tilespmem:$0x18200] =	vst v63  }
0x162: {  	s11 =	simm.s32 $0xA00;
	v3 =	vperm.xlane v3, v2  }
0x163: {  	[tilespmem:s11], [sflag:$0x1] =	stream.indirect_vreg.gather [hbm4b:s5+s3], $0x80, v4, vm0, $0xb8;
	[tilespmem:$0x18200] =	vst v63  }
0x164: {  	v3 =	vadd.s32 v1, v3;
	s11 =	simm.s32 $0x1200  }
0x165: {  	[tilespmem:s11], [sflag:$0x1] =	stream.indirect_vreg.gather [hbm4b:s6+s3], $0x80, v4, vm0, $0xb8;
	[tilespmem:$0x18200] =	vst v63  }
0x166: {  	s11 =	simm.s32 $0x1A00  }
0x167: {  	[tilespmem:s11], [sflag:$0x1] =	stream.indirect_vreg.gather [hbm4b:s7+s3], $0x80, v4, vm0, $0xb8;
	[tilespmem:$0x18200] =	vst v63  }
0x168: {  	s11 =	simm.s32 $0x2200  }
0x169: {  	[tilespmem:s11], [sflag:$0x1] =	stream.indirect_vreg.gather [hbm4b:s1+s3], $0x80, v3, vm0, $0xb8;
	[tilespmem:$0x18200] =	vst v63  }
0x16a: {  	s11 =	simm.s32 $0x2A00  }
0x16b: {  	[tilespmem:s11], [sflag:$0x1] =	stream.indirect_vreg.gather [hbm4b:s5+s3], $0x80, v3, vm0, $0xb8;
	[tilespmem:$0x18200] =	vst v63  }
0x16c: {  	s11 =	simm.s32 $0x3200  }
0x16d: {  	[tilespmem:s11], [sflag:$0x1] =	stream.indirect_vreg.gather [hbm4b:s6+s3], $0x80, v3, vm0, $0xb8;
	[tilespmem:$0x18200] =	vst v63  }
0x16e: {  	s11 =	simm.s32 $0x3A00  }
0x16f: {  	[tilespmem:s11], [sflag:$0x1] =	stream.indirect_vreg.gather [hbm4b:s7+s3], $0x80, v3, vm0, $0xb8;
	[tilespmem:$0x18200] =	vst v63  }
0x170: {  	_ =	swait.ge [sflag:s25], $0x4000  }
0x171: {  	[sflag:s25] =	ssyncset.done $0x0  }
0x172: {  	s11 =	rddreg [dreg:$0xd];
	[sflag:s25] =	ssyncadd.s32 $0xFFFFC000  }
0x173: {  	[hbm4b:s11+s3] =	stream.linear.scatter [tilespmem:s9], [sflag:$0xA], $0x4000, $0x38;
	[tilespmem:$0x18200] =	vst v63  }
0x174: {  	_ =	swait.ge [sflag:s28], $0x4000  }
0x175: {  	[sflag:s28] =	ssyncset.done $0x0  }
0x176: {  	[sflag:s28] =	ssyncadd.s32 $0xFFFFC000  }
0x177: {  	v3 =	vld [tilespmem:$0x190];
	_ =	sdelay $0x4  }
0x178: {  	v61 =	vshll.u32 v3, $0x3  }
0x179: {  	v3 =	vand.u32 $0x7, v3;
	v4 =	vand.u32 $0xFFFFFFC0, v61  }
0x17a: {  	v3 =	vor.u32 v3, v4  }
0x17b: {  	v4 =	vperm.xlane v3, v0;
	_ =	sdelay $0x1  }
0x17c: {  	v4 =	vadd.s32 v1, v4;
	_ =	sdelay $0x4  }
0x17d: {  	[tilespmem:s26], [sflag:$0x2] =	stream.indirect_vreg.gather [hbm4b:s1+s3], $0x80, v4, vm0, $0xb8;
	[tilespmem:$0x18200] =	vst v63  }
0x17e: {  	s11 =	simm.s32 $0x4A00;
	v3 =	vperm.xlane v3, v2  }
0x17f: {  	[tilespmem:s11], [sflag:$0x2] =	stream.indirect_vreg.gather [hbm4b:s5+s3], $0x80, v4, vm0, $0xb8;
	[tilespmem:$0x18200] =	vst v63  }
0x180: {  	v3 =	vadd.s32 v1, v3;
	s11 =	simm.s32 $0x5200  }
0x181: {  	[tilespmem:s11], [sflag:$0x2] =	stream.indirect_vreg.gather [hbm4b:s6+s3], $0x80, v4, vm0, $0xb8;
	[tilespmem:$0x18200] =	vst v63  }
0x182: {  	s11 =	simm.s32 $0x5A00  }
0x183: {  	[tilespmem:s11], [sflag:$0x2] =	stream.indirect_vreg.gather [hbm4b:s7+s3], $0x80, v4, vm0, $0xb8;
	[tilespmem:$0x18200] =	vst v63  }
0x184: {  	s11 =	simm.s32 $0x6200  }
0x185: {  	[tilespmem:s11], [sflag:$0x2] =	stream.indirect_vreg.gather [hbm4b:s1+s3], $0x80, v3, vm0, $0xb8;
	[tilespmem:$0x18200] =	vst v63  }
0x186: {  	s11 =	simm.s32 $0x6A00  }
0x187: {  	[tilespmem:s11], [sflag:$0x2] =	stream.indirect_vreg.gather [hbm4b:s5+s3], $0x80, v3, vm0, $0xb8;
	[tilespmem:$0x18200] =	vst v63  }
0x188: {  	s11 =	simm.s32 $0x7200  }
0x189: {  	[tilespmem:s11], [sflag:$0x2] =	stream.indirect_vreg.gather [hbm4b:s6+s3], $0x80, v3, vm0, $0xb8;
	[tilespmem:$0x18200] =	vst v63  }
0x18a: {  	s11 =	simm.s32 $0x7A00  }
0x18b: {  	[tilespmem:s11], [sflag:$0x2] =	stream.indirect_vreg.gather [hbm4b:s7+s3], $0x80, v3, vm0, $0xb8;
	[tilespmem:$0x18200] =	vst v63  }
0x18c: {  	_ =	swait.ge [sflag:s21], $0x4000  }
0x18d: {  	[sflag:s21] =	ssyncset.done $0x0  }
0x18e: {  	s11 =	rddreg [dreg:$0xe];
	[sflag:s21] =	ssyncadd.s32 $0xFFFFC000  }
0x18f: {  	[hbm4b:s11+s3] =	stream.linear.scatter [tilespmem:s10], [sflag:$0xB], $0x4000, $0x38;
	[tilespmem:$0x18200] =	vst v63  }
0x190: {  	_ =	swait.ge [sflag:s30], $0x4000  }
0x191: {  	[sflag:s30] =	ssyncset.done $0x0  }
0x192: {  	[sflag:s30] =	ssyncadd.s32 $0xFFFFC000  }
0x193: {  	v3 =	vld [tilespmem:$0x1A0];
	_ =	sdelay $0x4  }
0x194: {  	v62 =	vshll.u32 v3, $0x3  }
0x195: {  	v3 =	vand.u32 $0x7, v3;
	v4 =	vand.u32 $0xFFFFFFC0, v62  }
0x196: {  	v3 =	vor.u32 v3, v4  }
0x197: {  	v4 =	vperm.xlane v3, v0;
	_ =	sdelay $0x1  }
0x198: {  	v4 =	vadd.s32 v1, v4;
	_ =	sdelay $0x4  }
0x199: {  	[tilespmem:s29], [sflag:$0x3] =	stream.indirect_vreg.gather [hbm4b:s1+s3], $0x80, v4, vm0, $0xb8;
	[tilespmem:$0x18200] =	vst v63  }
0x19a: {  	s21 =	simm.s32 $0x8A00;
	v3 =	vperm.xlane v3, v2  }
0x19b: {  	[tilespmem:s21], [sflag:$0x3] =	stream.indirect_vreg.gather [hbm4b:s5+s3], $0x80, v4, vm0, $0xb8;
	[tilespmem:$0x18200] =	vst v63  }
0x19c: {  	s11 =	simm.s32 $0x9200;
	v3 =	vadd.s32 v1, v3  }
0x19d: {  	[tilespmem:s11], [sflag:$0x3] =	stream.indirect_vreg.gather [hbm4b:s6+s3], $0x80, v4, vm0, $0xb8;
	[tilespmem:$0x18200] =	vst v63  }
0x19e: {  	s21 =	simm.s32 $0x9A00  }
0x19f: {  	[tilespmem:s21], [sflag:$0x3] =	stream.indirect_vreg.gather [hbm4b:s7+s3], $0x80, v4, vm0, $0xb8;
	[tilespmem:$0x18200] =	vst v63  }
0x1a0: {  	s11 =	simm.s32 $0xA200  }
0x1a1: {  	[tilespmem:s11], [sflag:$0x3] =	stream.indirect_vreg.gather [hbm4b:s1+s3], $0x80, v3, vm0, $0xb8;
	[tilespmem:$0x18200] =	vst v63  }
0x1a2: {  	s21 =	simm.s32 $0xAA00  }
0x1a3: {  	[tilespmem:s21], [sflag:$0x3] =	stream.indirect_vreg.gather [hbm4b:s5+s3], $0x80, v3, vm0, $0xb8;
	[tilespmem:$0x18200] =	vst v63  }
0x1a4: {  	s11 =	simm.s32 $0xB200  }
0x1a5: {  	[tilespmem:s11], [sflag:$0x3] =	stream.indirect_vreg.gather [hbm4b:s6+s3], $0x80, v3, vm0, $0xb8;
	[tilespmem:$0x18200] =	vst v63  }
0x1a6: {  	s21 =	simm.s32 $0xBA00  }
0x1a7: {  	[tilespmem:s21], [sflag:$0x3] =	stream.indirect_vreg.gather [hbm4b:s7+s3], $0x80, v3, vm0, $0xb8;
	[tilespmem:$0x18200] =	vst v63  }
0x1a8: {  	_ =	swait.ge [sflag:s2], $0x4000  }
0x1a9: {  	[sflag:s2] =	ssyncset.done $0x0  }
0x1aa: {  	s10 =	rddreg [dreg:$0xf];
	[sflag:s2] =	ssyncadd.s32 $0xFFFFC000  }
0x1ab: {  	[hbm4b:s10+s3] =	stream.linear.scatter [tilespmem:s19], [sflag:$0xC], $0x4000, $0x38;
	[tilespmem:$0x18200] =	vst v63  }
0x1ac: {  	_ =	swait.ge [sflag:s0], $0x4000  }
0x1ad: {  	[sflag:s0] =	ssyncset.done $0x0  }
0x1ae: {  	[sflag:s0] =	ssyncadd.s32 $0xFFFFC000  }
0x1af: {  	v3 =	vld [tilespmem:$0x1B0];
	_ =	sdelay $0x4  }
0x1b0: {  	v63 =	vshll.u32 v3, $0x3  }
0x1b1: {  	v3 =	vand.u32 $0x7, v3;
	v4 =	vand.u32 $0xFFFFFFC0, v63  }
0x1b2: {  	v3 =	vor.u32 v3, v4  }
0x1b3: {  	v4 =	vperm.xlane v3, v0;
	_ =	sdelay $0x1  }
0x1b4: {  	v4 =	vadd.s32 v1, v4;
	_ =	sdelay $0x4  }
0x1b5: {  	[tilespmem:s9], [sflag:$0x4] =	stream.indirect_vreg.gather [hbm4b:s1+s3], $0x80, v4, vm0, $0xb8;
	[tilespmem:$0x18200] =	vst v63  }
0x1b6: {  	s11 =	simm.s32 $0xCA00;
	v3 =	vperm.xlane v3, v2  }
0x1b7: {  	[tilespmem:s11], [sflag:$0x4] =	stream.indirect_vreg.gather [hbm4b:s5+s3], $0x80, v4, vm0, $0xb8;
	[tilespmem:$0x18200] =	vst v63  }
0x1b8: {  	s21 =	simm.s32 $0xD200;
	v3 =	vadd.s32 v1, v3  }
0x1b9: {  	[tilespmem:s21], [sflag:$0x4] =	stream.indirect_vreg.gather [hbm4b:s6+s3], $0x80, v4, vm0, $0xb8;
	[tilespmem:$0x18200] =	vst v63  }
0x1ba: {  	s10 =	simm.s32 $0xDA00  }
0x1bb: {  	[tilespmem:s10], [sflag:$0x4] =	stream.indirect_vreg.gather [hbm4b:s7+s3], $0x80, v4, vm0, $0xb8;
	[tilespmem:$0x18200] =	vst v63  }
0x1bc: {  	s11 =	simm.s32 $0xE200  }
0x1bd: {  	[tilespmem:s11], [sflag:$0x4] =	stream.indirect_vreg.gather [hbm4b:s1+s3], $0x80, v3, vm0, $0xb8;
	[tilespmem:$0x18200] =	vst v63  }
0x1be: {  	s21 =	simm.s32 $0xEA00  }
0x1bf: {  	[tilespmem:s21], [sflag:$0x4] =	stream.indirect_vreg.gather [hbm4b:s5+s3], $0x80, v3, vm0, $0xb8;
	[tilespmem:$0x18200] =	vst v63  }
0x1c0: {  	s10 =	simm.s32 $0xF200  }
0x1c1: {  	[tilespmem:s10], [sflag:$0x4] =	stream.indirect_vreg.gather [hbm4b:s6+s3], $0x80, v3, vm0, $0xb8;
	[tilespmem:$0x18200] =	vst v63  }
0x1c2: {  	s11 =	simm.s32 $0xFA00  }
0x1c3: {  	[tilespmem:s11], [sflag:$0x4] =	stream.indirect_vreg.gather [hbm4b:s7+s3], $0x80, v3, vm0, $0xb8;
	[tilespmem:$0x18200] =	vst v63  }
0x1c4: {  	_ =	swait.ge [sflag:s31], $0x4000  }
0x1c5: {  	[sflag:s31] =	ssyncset.done $0x0  }
0x1c6: {  	s21 =	rddreg [dreg:$0x10];
	[sflag:s31] =	ssyncadd.s32 $0xFFFFC000  }
0x1c7: {  	[hbm4b:s21+s3] =	stream.linear.scatter [tilespmem:s18], [sflag:$0x7], $0x4000, $0x38;
	[tilespmem:$0x18200] =	vst v63  }
0x1c8: {  	_ =	swait.ge [sflag:s22], $0x4000  }
0x1c9: {  	[sflag:s22] =	ssyncset.done $0x0  }
0x1ca: {  	s2 =	rddreg [dreg:$0x11];
	[sflag:s22] =	ssyncadd.s32 $0xFFFFC000  }
0x1cb: {  	[hbm4b:s2+s3] =	stream.linear.scatter [tilespmem:s26], [sflag:$0x8], $0x4000, $0x38;
	[tilespmem:$0x18200] =	vst v63  }
0x1cc: {  	_ =	swait.ge [sflag:s23], $0x4000  }
0x1cd: {  	[sflag:s23] =	ssyncset.done $0x0  }
0x1ce: {  	s10 =	rddreg [dreg:$0x12];
	[sflag:s23] =	ssyncadd.s32 $0xFFFFC000  }
0x1cf: {  	[hbm4b:s10+s3] =	stream.linear.scatter [tilespmem:s29], [sflag:$0x9], $0x4000, $0x38;
	[tilespmem:$0x18200] =	vst v63  }
0x1d0: {  	_ =	swait.ge [sflag:s25], $0x4000  }
0x1d1: {  	[sflag:s25] =	ssyncset.done $0x0  }
0x1d2: {  	s21 =	rddreg [dreg:$0x13];
	[sflag:s25] =	ssyncadd.s32 $0xFFFFC000  }
0x1d3: {  	[hbm4b:s21+s3] =	stream.linear.scatter [tilespmem:s9], [sflag:$0xA], $0x4000, $0x38;
	[tilespmem:$0x18200] =	vst v63  }
0x1d4: {  	_ =	swait.ge [sflag:s4], $0x4000  }
0x1d5: {  	[sflag:s4] =	ssyncset.done $0x0  }
0x1d6: {  	[sflag:s4] =	ssyncadd.s32 $0xFFFFC000  }
0x1d7: {  	_ =	swait.ge [sflag:s12], $0x4000  }
0x1d8: {  	[sflag:s12] =	ssyncset.done $0x0  }
0x1d9: {  	[sflag:s12] =	ssyncadd.s32 $0xFFFFC000  }
0x1da: {  	_ =	swait.ge [sflag:s24], $0x4000  }
0x1db: {  	[sflag:s24] =	ssyncset.done $0x0  }
0x1dc: {  	[sflag:s24] =	ssyncadd.s32 $0xFFFFC000  }
0x1dd: {  	_ =	swait.ge [sflag:s28], $0x4000  }
0x1de: {  	[sflag:s28] =	ssyncset.done $0x0  }
0x1df: {  	[sflag:s28] =	ssyncadd.s32 $0xFFFFC000  }
0x1e0: {  	p0 =	sne.s32 s8, $0x1;
	_ =	swait.ge [sflag:s30], $0x4000  }
.Ltmp0:
0x1e1: {  	[sflag:s30] =	ssyncset.done $0x0;
	(pc) =	sbr.rel @p0 .LBB2_1-.Ltmp0, $4  }
0x1e2: {  	[sflag:s30] =	ssyncadd.s32 $0xFFFFC000  }
0x1e3: {  	_ =	swait.ge [sflag:s0], $0x4000  }
0x1e4: {  	[sflag:s0] =	ssyncset.done $0x0  }
0x1e5: {  	s8 =	sadd.s32 $0xFFFFFFFF, s8;
	[sflag:s0] =	ssyncadd.s32 $0xFFFFC000  }
0x1e6: {  	_ =	sfence.sel $0x180000  }
0x1e7: {  	[bflag:$0x0] =	sbarrier.arrive $0xFFFF  }
0x1e8: {  	_ =	strace $0x90000047  }
0x1e9: {  	s0 =	stileid.u32;
	[bflag:$0x2] =	sbarrier.arrive $0xFFFF  }
0x1ea: {  	p0 =	sne.s32 s0, $0x0;
	s0 =	rddreg [dreg:$0x3]  }
0x1eb: {  	s0 =	sadd.s32 @!p0 $0x100000, s0  }
0x1ec: {  	[sflag:s0] =	ssyncadd.tile.s32 @!p0 $0x1;
	_ =	shalt  }
.Lfunc_end2:
_tile_overlayer_lowered:
.L_overlay_start_2:
0x1ed: {  	(tag) =	ssettag $0x2  }
0x1ee: {  	s0 =	rddreg [dreg:$0x0];
	s2 =	stileid.u32  }
0x1ef: {  	s1 =	rddreg [dreg:$0x1];
	p0 =	sne.s32 s2, $0x0  }
0x1f0: {  	s3 =	rddreg [dreg:$0x2];
	[bflag:$0x3] =	sbarrier.arrive $0xFFFF;
	s2 =	simm.s32 @!p0 $0x1C0D  }
0x1f1: {  	[timem:s3], [sflag:s2] =	dma.local @!p0 [hbm:s0], s1  }
0x1f2: {  	s0 =	simm.s32 @!p0 $0xD  }
0x1f3: {  	_ =	swait.ge @!p0 [sflag:s0], s1  }
0x1f4: {  	s1 =	ssub.s32 @!p0 $0x0, s1;
	[sflag:s0] =	ssyncset.done @!p0 $0x0  }
0x1f5: {  	[sflag:s0] =	ssyncadd.s32 @!p0 s1  }
0x1f6: {  	[bflag:$0x3] =	sbarrier.arrive $0xFFFF  }
0x1f7: {  	_ =	shalt  }

</sc_bundles>
